<compile_context>
chip_gen: v7x
topology: tpu7x:2x2x1
jax: 0.10.2.dev20260603
libtpu: 0.0.44.dev20260713+nightly
codegen_flags: <defaults>
</compile_context>

<pallas_src>
import functools

import jax
import jax.numpy as jnp
from jax import lax
from jax.experimental import pallas as pl
from jax.experimental.pallas import tpu as pltpu
from jax.experimental.pallas import tpu_sc as plsc

N, P, M, C = 8, 2048, 512, 4
L = 16
NC, NS = 2, 16
NW = NC * NS
SUB_PER_IMG = NW // N

P_SC = 1024
P_TC = P - P_SC
TP = 512

QPW = (N * P_SC) // NW
NVREG = QPW // L
GROUP = 8

_BIG = 1e30
_SENTINEL = 1e8


def _sc_body(pred_hbm, gt_hbm, out_hbm, pred_v, gt_v, out_v):
    w = lax.axis_index("s") * NC + lax.axis_index("c")
    img = w // SUB_PER_IMG
    part = w % SUB_PER_IMG
    pltpu.sync_copy(pred_hbm.at[img, pl.ds(part * QPW, QPW)], pred_v)
    pltpu.sync_copy(gt_hbm.at[img], gt_v.at[pl.ds(0, C * M)])
    qiota = jnp.arange(L, dtype=jnp.int32)

    def sgh_body(t, carry):
        base = t * L
        s = gt_v[pl.ds(base, L)] + gt_v[pl.ds(base + M, L)]
        s = s + gt_v[pl.ds(base + 2 * M, L)]
        s = s + gt_v[pl.ds(base + 3 * M, L)]
        gt_v[pl.ds(base + 4 * M, L)] = s * 0.5
        return carry

    lax.fori_loop(0, M // L, sgh_body, 0)

    for g in range(0, NVREG, GROUP):
        nv = min(GROUP, NVREG - g)
        px = [[plsc.load_gather(pred_v, [qiota + (g + j) * L,
                                         jnp.full((L,), k, jnp.int32)])
               for k in range(C)]
              for j in range(nv)]
        acc0 = tuple(jnp.full((L,), _BIG, jnp.float32) for _ in range(nv))

        def body(m, acc, px=px, nv=nv):
            gk = [plsc.load_gather(gt_v, [jnp.full((L,), m + k * M, jnp.int32)])
                  for k in range(C)]
            sgh = plsc.load_gather(gt_v, [jnp.full((L,), m + C * M, jnp.int32)])
            out = []
            for j in range(nv):
                a = jnp.minimum(px[j][0], gk[0])
                for k in range(1, C):
                    a = a + jnp.minimum(px[j][k], gk[k])
                out.append(jnp.minimum(acc[j], sgh - a))
            return tuple(out)

        acc = lax.fori_loop(0, M, body, acc0)
        for j in range(nv):
            sp = px[j][0] + px[j][1]
            sp = sp + px[j][2]
            sp = sp + px[j][3]
            v = sp + acc[j] + acc[j]
            v = jnp.where(v >= _SENTINEL, 0.0, v)
            out_v[pl.ds((g + j) * L, L)] = v

    pltpu.sync_copy(out_v, out_hbm.at[pl.ds(w * QPW, QPW)])


def _sc_call(pred_boxes, gt_r):
    return pl.kernel(
        _sc_body,
        out_type=jax.ShapeDtypeStruct((NW * QPW,), jnp.float32),
        mesh=plsc.VectorSubcoreMesh(core_axis_name="c", subcore_axis_name="s",
                                    num_cores=NC, num_subcores=NS),
        scratch_types=[
            pltpu.VMEM((QPW, C), jnp.float32),
            pltpu.VMEM(((C + 1) * M,), jnp.float32),
            pltpu.VMEM((QPW,), jnp.float32),
        ],
        compiler_params=pltpu.CompilerParams(needs_layout_passes=False),
    )(pred_boxes, gt_r)


MC = 128


def _tc_body(pred_ref, gt_ref, out_ref):
    p = pred_ref[0]
    g = gt_ref[0]
    sgh = ((g[0] + g[1]) + (g[2] + g[3])) * 0.5
    sp = (p[:, 0] + p[:, 1]) + (p[:, 2] + p[:, 3])
    pb = [jnp.broadcast_to(p[:, k:k + 1], (TP, MC)) for k in range(C)]
    cacc = jnp.full((TP, MC), _BIG, jnp.float32)
    for mc in range(M // MC):
        sl = slice(mc * MC, (mc + 1) * MC)
        a = jnp.minimum(pb[0], g[0, sl][None, :])
        for k in range(1, C):
            a = a + jnp.minimum(pb[k], g[k, sl][None, :])
        cacc = jnp.minimum(cacc, sgh[sl][None, :] - a)
    m = jnp.min(cacc, axis=1)
    loss = sp + (m + m)
    out_ref[0, 0] = jnp.where(loss >= _SENTINEL, 0.0, loss)


_OFF = P_SC // TP


def _tc_call(pred_boxes, gt_t):
    nt = P_TC // TP
    return pl.pallas_call(
        _tc_body,
        grid=(N, nt),
        in_specs=[
            pl.BlockSpec((1, TP, C), lambda n, t: (n, t + _OFF, 0)),
            pl.BlockSpec((1, C, M), lambda n, t: (n, 0, 0)),
        ],
        out_specs=pl.BlockSpec((1, 1, TP),
                               lambda n, t: (n * nt + t, 0, 0)),
        out_shape=jax.ShapeDtypeStruct((N * nt, 1, TP), jnp.float32),
    )(pred_boxes, gt_t).reshape(N, P_TC)


@jax.jit
def kernel(pred_boxes, gt_boxes, masks):
    gt_adj = jnp.where(masks[:, :, None], gt_boxes,
                       jnp.full_like(gt_boxes, 1e9))
    gt_t = gt_adj.transpose(0, 2, 1)
    gt_r = gt_t.reshape(N, C * M)

    out_sc = _sc_call(pred_boxes, gt_r)

    out_tc = _tc_call(pred_boxes, gt_t)

    loss_sc = out_sc.reshape(N, P_SC)
    return jnp.concatenate([loss_sc, out_tc], axis=1)

# --- scband reference (transcript-rebuilt; emitter-appended) ---
"""Pipeline reference for scband-box-projection-loss-70214125355130 (READ-ONLY COPY).

The authoritative reference and input builder live on the scoring server;
editing this copy changes nothing except your own understanding.
"""

import jax, jax.numpy as jnp
import numpy as np


def setup_inputs(seed: int = 0) -> dict:
    key = jax.random.key(seed)
    k1, k2 = jax.random.split(key)
    # boxes kept in [0,1) so the 'max < 1000' assert in the torch code is trivially satisfied
    pred_boxes = jax.random.uniform(k1, (8, 2048, 4), dtype=jnp.float32)
    gt_boxes = jax.random.uniform(k2, (8, 512, 4), dtype=jnp.float32)
    masks = jnp.ones((8, 512), dtype=bool)  # all gt slots valid (fully packed padding mask)
    return {"pred_boxes": pred_boxes, "gt_boxes": gt_boxes, "masks": masks}


def reference(pred_boxes, gt_boxes, masks):
    # box_loss: pairwise L1 distance. box1 [N,P,1,4], box2 [N,1,M,4] -> [N,P,M]
    diff = jnp.abs(pred_boxes[:, :, None, :] - gt_boxes[:, None, :, :]).sum(-1)
    # mask out padded gt slots with a huge sentinel (torch: 1e8)
    loss_filled = jnp.where(masks[:, None, :], diff, jnp.full_like(diff, 1e8))
    # min over gt axis + index of closest gt
    loss = jnp.min(loss_filled, axis=-1)
    closest_idx = jnp.argmin(loss_filled, axis=-1)
    # torch.gather(masks, 1, closest_idx) -> [N, P]
    masks_gathered = jnp.take_along_axis(masks, closest_idx, axis=1)
    # zero out losses whose closest gt was a padding slot
    loss = jnp.where(masks_gathered, loss, jnp.zeros_like(loss))
    return loss

if __name__ == "__main__":
    import jax
    _d = setup_inputs()
    print(jax.jit(kernel)(*tuple(_d.values())))

</pallas_src>

<mosaic_0001>
#map = affine_map<(d0, d1) -> (0, 0, 0)>
#map1 = affine_map<(d0, d1) -> (0, 0)>
#map2 = affine_map<(d0, d1) -> (0)>
module attributes {stable_mosaic.version = 14 : i64} {
  func.func @_sc_body(%arg0: i32, %arg1: i32, %arg2: memref<8x2048x4xf32, #tpu.memory_space<hbm>>, %arg3: memref<8x2048xf32, #tpu.memory_space<hbm>>, %arg4: memref<8192xf32, #tpu.memory_space<hbm>>, %arg5: memref<256x4xf32, #tpu.memory_space<vmem>>, %arg6: memref<2560xf32, #tpu.memory_space<vmem>>, %arg7: memref<256xf32, #tpu.memory_space<vmem>>) attributes {dimension_semantics = [#tpu.dimension_semantics<core_parallel>, #tpu.dimension_semantics<subcore_parallel>], iteration_bounds = array<i64: 2, 16>, scalar_prefetch = 0 : i64, scratch_operands = 3 : i64, tpu.core_type = #tpu.core_type<sc_vector_subcore>, window_params = [{transform_indices = #map}, {transform_indices = #map1}, {transform_indices = #map2}]} {
    %mul3A = arith.constant 2 : i32
    %mul3A_0 = arith.muli %arg1, %mul3A : i32
    %add3A = arith.addi %mul3A_0, %arg0 : i32
    %jit3A = arith.constant 4 : i32
    %div3A = arith.divsi %add3A, %jit3A : i32
    %sign3A = arith.constant 0 : i32
    %sign3A_1 = arith.cmpi sgt, %add3A, %sign3A : i32
    %sign3A_2 = arith.extui %sign3A_1 : i1 to i32
    %sign3A_3 = arith.constant 0 : i32
    %sign3A_4 = arith.cmpi slt, %add3A, %sign3A_3 : i32
    %sign3A_5 = arith.extui %sign3A_4 : i1 to i32
    %sign3A_6 = arith.subi %sign3A_2, %sign3A_5 : i32
    %sign3A_7 = arith.constant 0 : i32
    %sign3A_8 = arith.cmpi sgt, %jit3A, %sign3A_7 : i32
    %sign3A_9 = arith.extui %sign3A_8 : i1 to i32
    %sign3A_10 = arith.constant 0 : i32
    %sign3A_11 = arith.cmpi slt, %jit3A, %sign3A_10 : i32
    %sign3A_12 = arith.extui %sign3A_11 : i1 to i32
    %sign3A_13 = arith.subi %sign3A_9, %sign3A_12 : i32
    %ne3A = arith.cmpi ne, %sign3A_6, %sign3A_13 : i32
    %rem3A = arith.remsi %add3A, %jit3A : i32
    %ne3A_14 = arith.constant 0 : i32
    %ne3A_15 = arith.cmpi ne, %rem3A, %ne3A_14 : i32
    %and3A = arith.andi %ne3A, %ne3A_15 : i1
    %sub3A = arith.constant 1 : i32
    %sub3A_16 = arith.subi %div3A, %sub3A : i32
    %select_n3A = arith.select %and3A, %sub3A_16, %div3A : i32
    %jit3A_17 = arith.constant 4 : i32
    %eq3A = arith.constant 0 : i32
    %eq3A_18 = arith.cmpi eq, %jit3A_17, %eq3A : i32
    %jit3A_19 = arith.constant 1 : i32
    %select_n3A_20 = arith.select %eq3A_18, %jit3A_19, %jit3A_17 : i32
    %rem3A_21 = arith.remsi %add3A, %select_n3A_20 : i32
    %ne3A_22 = arith.constant 0 : i32
    %ne3A_23 = arith.cmpi ne, %rem3A_21, %ne3A_22 : i32
    %lt3A = arith.constant 0 : i32
    %lt3A_24 = arith.cmpi slt, %rem3A_21, %lt3A : i32
    %lt3A_25 = arith.constant 0 : i32
    %lt3A_26 = arith.cmpi slt, %select_n3A_20, %lt3A_25 : i32
    %ne3A_27 = arith.xori %lt3A_24, %lt3A_26 : i1
    %and3A_28 = arith.andi %ne3A_27, %ne3A_23 : i1
    %add3A_29 = arith.addi %rem3A_21, %select_n3A_20 : i32
    %select_n3A_30 = arith.select %and3A_28, %add3A_29, %rem3A_21 : i32
    %mul3A_31 = arith.constant 256 : i32
    %mul3A_32 = arith.muli %select_n3A_30, %mul3A_31 : i32
    "tpu.region"() ({
      %run_scoped3A = tpu.sem_alloc : memref<!tpu.dma_semaphore, #tpu.memory_space<semaphore_mem>>
      %dma_start3A = arith.constant 0 : i32
      %dma_start3A_672 = tpu.memref_slice %arg2[%select_n3A, %mul3A_32, %dma_start3A] : memref<8x2048x4xf32, #tpu.memory_space<hbm>> -> memref<1x256x4xf32, #tpu.memory_space<hbm>>
      %dma_start3A_673 = tpu.memref_squeeze %dma_start3A_672 : memref<1x256x4xf32, #tpu.memory_space<hbm>> -> memref<256x4xf32, #tpu.memory_space<hbm>>
      %dma_start3A_674 = arith.constant 0 : i32
      %dma_start3A_675 = tpu.memref_slice %arg2[%select_n3A, %mul3A_32, %dma_start3A_674] : memref<8x2048x4xf32, #tpu.memory_space<hbm>> -> memref<1x256x4xf32, #tpu.memory_space<hbm>>
      %dma_start3A_676 = tpu.memref_squeeze %dma_start3A_675 : memref<1x256x4xf32, #tpu.memory_space<hbm>> -> memref<256x4xf32, #tpu.memory_space<hbm>>
      tpu.enqueue_dma source(%dma_start3A_676 : memref<256x4xf32, #tpu.memory_space<hbm>>) target(%arg5 : memref<256x4xf32, #tpu.memory_space<vmem>>) target_semaphore(%run_scoped3A : memref<!tpu.dma_semaphore, #tpu.memory_space<semaphore_mem>>)
      %dma_wait3A = arith.constant 0 : i32
      %dma_wait3A_677 = tpu.memref_slice %arg2[%select_n3A, %mul3A_32, %dma_wait3A] : memref<8x2048x4xf32, #tpu.memory_space<hbm>> -> memref<1x256x4xf32, #tpu.memory_space<hbm>>
      %dma_wait3A_678 = tpu.memref_squeeze %dma_wait3A_677 : memref<1x256x4xf32, #tpu.memory_space<hbm>> -> memref<256x4xf32, #tpu.memory_space<hbm>>
      %dma_wait3A_679 = arith.constant 0 : i32
      %dma_wait3A_680 = tpu.memref_slice %arg2[%select_n3A, %mul3A_32, %dma_wait3A_679] : memref<8x2048x4xf32, #tpu.memory_space<hbm>> -> memref<1x256x4xf32, #tpu.memory_space<hbm>>
      %dma_wait3A_681 = tpu.memref_squeeze %dma_wait3A_680 : memref<1x256x4xf32, #tpu.memory_space<hbm>> -> memref<256x4xf32, #tpu.memory_space<hbm>>
      tpu.wait_dma2 semaphore(%run_scoped3A : memref<!tpu.dma_semaphore, #tpu.memory_space<semaphore_mem>>) src(%dma_wait3A_681 : memref<256x4xf32, #tpu.memory_space<hbm>>) dst(%arg5 : memref<256x4xf32, #tpu.memory_space<vmem>>)
      tpu.yield
    }) : () -> ()
    "tpu.region"() ({
      %run_scoped3A = tpu.sem_alloc : memref<!tpu.dma_semaphore, #tpu.memory_space<semaphore_mem>>
      %dma_start3A = arith.constant 0 : i32
      %dma_start3A_672 = tpu.memref_slice %arg6[%dma_start3A] : memref<2560xf32, #tpu.memory_space<vmem>> -> memref<2048xf32, #tpu.memory_space<vmem>>
      %dma_start3A_673 = arith.constant 0 : i32
      %dma_start3A_674 = tpu.memref_slice %arg3[%select_n3A, %dma_start3A_673] : memref<8x2048xf32, #tpu.memory_space<hbm>> -> memref<1x2048xf32, #tpu.memory_space<hbm>>
      %dma_start3A_675 = tpu.memref_squeeze %dma_start3A_674 : memref<1x2048xf32, #tpu.memory_space<hbm>> -> memref<2048xf32, #tpu.memory_space<hbm>>
      %dma_start3A_676 = arith.constant 0 : i32
      %dma_start3A_677 = tpu.memref_slice %arg6[%dma_start3A_676] : memref<2560xf32, #tpu.memory_space<vmem>> -> memref<2048xf32, #tpu.memory_space<vmem>>
      %dma_start3A_678 = arith.constant 0 : i32
      %dma_start3A_679 = tpu.memref_slice %arg3[%select_n3A, %dma_start3A_678] : memref<8x2048xf32, #tpu.memory_space<hbm>> -> memref<1x2048xf32, #tpu.memory_space<hbm>>
      %dma_start3A_680 = tpu.memref_squeeze %dma_start3A_679 : memref<1x2048xf32, #tpu.memory_space<hbm>> -> memref<2048xf32, #tpu.memory_space<hbm>>
      tpu.enqueue_dma source(%dma_start3A_680 : memref<2048xf32, #tpu.memory_space<hbm>>) target(%dma_start3A_677 : memref<2048xf32, #tpu.memory_space<vmem>>) target_semaphore(%run_scoped3A : memref<!tpu.dma_semaphore, #tpu.memory_space<semaphore_mem>>)
      %dma_wait3A = arith.constant 0 : i32
      %dma_wait3A_681 = tpu.memref_slice %arg6[%dma_wait3A] : memref<2560xf32, #tpu.memory_space<vmem>> -> memref<2048xf32, #tpu.memory_space<vmem>>
      %dma_wait3A_682 = arith.constant 0 : i32
      %dma_wait3A_683 = tpu.memref_slice %arg3[%select_n3A, %dma_wait3A_682] : memref<8x2048xf32, #tpu.memory_space<hbm>> -> memref<1x2048xf32, #tpu.memory_space<hbm>>
      %dma_wait3A_684 = tpu.memref_squeeze %dma_wait3A_683 : memref<1x2048xf32, #tpu.memory_space<hbm>> -> memref<2048xf32, #tpu.memory_space<hbm>>
      %dma_wait3A_685 = arith.constant 0 : i32
      %dma_wait3A_686 = tpu.memref_slice %arg6[%dma_wait3A_685] : memref<2560xf32, #tpu.memory_space<vmem>> -> memref<2048xf32, #tpu.memory_space<vmem>>
      %dma_wait3A_687 = arith.constant 0 : i32
      %dma_wait3A_688 = tpu.memref_slice %arg3[%select_n3A, %dma_wait3A_687] : memref<8x2048xf32, #tpu.memory_space<hbm>> -> memref<1x2048xf32, #tpu.memory_space<hbm>>
      %dma_wait3A_689 = tpu.memref_squeeze %dma_wait3A_688 : memref<1x2048xf32, #tpu.memory_space<hbm>> -> memref<2048xf32, #tpu.memory_space<hbm>>
      tpu.wait_dma2 semaphore(%run_scoped3A : memref<!tpu.dma_semaphore, #tpu.memory_space<semaphore_mem>>) src(%dma_wait3A_689 : memref<2048xf32, #tpu.memory_space<hbm>>) dst(%dma_wait3A_686 : memref<2048xf32, #tpu.memory_space<vmem>>)
      tpu.yield
    }) : () -> ()
    %iota3A = tpu.iota {dimensions = array<i32: 0>} : vector<16xi32>
    %scan3A = arith.constant 0 : i32
    %scan3A_33 = arith.constant 0 : i32
    %scan3A_34 = arith.constant 32 : i32
    %scan3A_35 = arith.addi %scan3A_33, %scan3A_34 : i32
    %scan3A_36 = arith.constant 1 : i32
    scf.for %scan3A_672 = %scan3A_33 to %scan3A_35 step %scan3A_36  : i32 {
      %mul3A_673 = arith.constant 16 : i32
      %mul3A_674 = arith.muli %scan3A_672, %mul3A_673 : i32
      %get3A = arith.index_cast %mul3A_674 : i32 to index
      %get3A_675 = tpu.vector_load %arg6[%get3A] {strides = array<i32>} : memref<2560xf32, #tpu.memory_space<vmem>>, vector<16xf32>,
      %add3A_676 = arith.constant 512 : i32
      %add3A_677 = arith.addi %mul3A_674, %add3A_676 : i32
      %get3A_678 = arith.index_cast %add3A_677 : i32 to index
      %get3A_679 = tpu.vector_load %arg6[%get3A_678] {strides = array<i32>} : memref<2560xf32, #tpu.memory_space<vmem>>, vector<16xf32>,
      %add3A_680 = arith.addf %get3A_675, %get3A_679 : vector<16xf32>
      %add3A_681 = arith.constant 1024 : i32
      %add3A_682 = arith.addi %mul3A_674, %add3A_681 : i32
      %get3A_683 = arith.index_cast %add3A_682 : i32 to index
      %get3A_684 = tpu.vector_load %arg6[%get3A_683] {strides = array<i32>} : memref<2560xf32, #tpu.memory_space<vmem>>, vector<16xf32>,
      %add3A_685 = arith.addf %add3A_680, %get3A_684 : vector<16xf32>
      %add3A_686 = arith.constant 1536 : i32
      %add3A_687 = arith.addi %mul3A_674, %add3A_686 : i32
      %get3A_688 = arith.index_cast %add3A_687 : i32 to index
      %get3A_689 = tpu.vector_load %arg6[%get3A_688] {strides = array<i32>} : memref<2560xf32, #tpu.memory_space<vmem>>, vector<16xf32>,
      %add3A_690 = arith.addf %add3A_685, %get3A_689 : vector<16xf32>
      %mul3A_691 = arith.constant 5.000000e-01 : f32
      %mul3A_692 = vector.broadcast %mul3A_691 : f32 to vector<16xf32>
      %mul3A_693 = arith.mulf %add3A_690, %mul3A_692 : vector<16xf32>
      %add3A_694 = arith.constant 2048 : i32
      %add3A_695 = arith.addi %mul3A_674, %add3A_694 : i32
      %swap3A_696 = arith.index_cast %add3A_695 : i32 to index
      %swap3A_697 = tpu.vector_load %arg6[%swap3A_696] {strides = array<i32>} : memref<2560xf32, #tpu.memory_space<vmem>>, vector<16xf32>,
      tpu.vector_store %arg6[%swap3A_696], %mul3A_693 {strides = array<i32>} : memref<2560xf32, #tpu.memory_space<vmem>>, vector<16xf32>,
    }
    %scan3A_37 = arith.constant 32 : i32
    %add3A_38 = arith.constant 0 : i32
    %add3A_39 = vector.broadcast %add3A_38 : i32 to vector<16xi32>
    %add3A_40 = arith.addi %iota3A, %add3A_39 : vector<16xi32>
    %broadcast_in_dim3A = arith.constant 0 : i32
    %broadcast_in_dim3A_41 = vector.broadcast %broadcast_in_dim3A : i32 to vector<16xi32>
    %gather3A = tpu.vector_load_idx %arg5[%add3A_40, %broadcast_in_dim3A_41] : memref<256x4xf32, #tpu.memory_space<vmem>>[vector<16xi32>, vector<16xi32>], vector<16xf32>,
    %add3A_42 = arith.constant 0 : i32
    %add3A_43 = vector.broadcast %add3A_42 : i32 to vector<16xi32>
    %add3A_44 = arith.addi %iota3A, %add3A_43 : vector<16xi32>
    %broadcast_in_dim3A_45 = arith.constant 1 : i32
    %broadcast_in_dim3A_46 = vector.broadcast %broadcast_in_dim3A_45 : i32 to vector<16xi32>
    %gather3A_47 = tpu.vector_load_idx %arg5[%add3A_44, %broadcast_in_dim3A_46] : memref<256x4xf32, #tpu.memory_space<vmem>>[vector<16xi32>, vector<16xi32>], vector<16xf32>,
    %add3A_48 = arith.constant 0 : i32
    %add3A_49 = vector.broadcast %add3A_48 : i32 to vector<16xi32>
    %add3A_50 = arith.addi %iota3A, %add3A_49 : vector<16xi32>
    %broadcast_in_dim3A_51 = arith.constant 2 : i32
    %broadcast_in_dim3A_52 = vector.broadcast %broadcast_in_dim3A_51 : i32 to vector<16xi32>
    %gather3A_53 = tpu.vector_load_idx %arg5[%add3A_50, %broadcast_in_dim3A_52] : memref<256x4xf32, #tpu.memory_space<vmem>>[vector<16xi32>, vector<16xi32>], vector<16xf32>,
    %add3A_54 = arith.constant 0 : i32
    %add3A_55 = vector.broadcast %add3A_54 : i32 to vector<16xi32>
    %add3A_56 = arith.addi %iota3A, %add3A_55 : vector<16xi32>
    %broadcast_in_dim3A_57 = arith.constant 3 : i32
    %broadcast_in_dim3A_58 = vector.broadcast %broadcast_in_dim3A_57 : i32 to vector<16xi32>
    %gather3A_59 = tpu.vector_load_idx %arg5[%add3A_56, %broadcast_in_dim3A_58] : memref<256x4xf32, #tpu.memory_space<vmem>>[vector<16xi32>, vector<16xi32>], vector<16xf32>,
    %add3A_60 = arith.constant 16 : i32
    %add3A_61 = vector.broadcast %add3A_60 : i32 to vector<16xi32>
    %add3A_62 = arith.addi %iota3A, %add3A_61 : vector<16xi32>
    %broadcast_in_dim3A_63 = arith.constant 0 : i32
    %broadcast_in_dim3A_64 = vector.broadcast %broadcast_in_dim3A_63 : i32 to vector<16xi32>
    %gather3A_65 = tpu.vector_load_idx %arg5[%add3A_62, %broadcast_in_dim3A_64] : memref<256x4xf32, #tpu.memory_space<vmem>>[vector<16xi32>, vector<16xi32>], vector<16xf32>,
    %add3A_66 = arith.constant 16 : i32
    %add3A_67 = vector.broadcast %add3A_66 : i32 to vector<16xi32>
    %add3A_68 = arith.addi %iota3A, %add3A_67 : vector<16xi32>
    %broadcast_in_dim3A_69 = arith.constant 1 : i32
    %broadcast_in_dim3A_70 = vector.broadcast %broadcast_in_dim3A_69 : i32 to vector<16xi32>
    %gather3A_71 = tpu.vector_load_idx %arg5[%add3A_68, %broadcast_in_dim3A_70] : memref<256x4xf32, #tpu.memory_space<vmem>>[vector<16xi32>, vector<16xi32>], vector<16xf32>,
    %add3A_72 = arith.constant 16 : i32
    %add3A_73 = vector.broadcast %add3A_72 : i32 to vector<16xi32>
    %add3A_74 = arith.addi %iota3A, %add3A_73 : vector<16xi32>
    %broadcast_in_dim3A_75 = arith.constant 2 : i32
    %broadcast_in_dim3A_76 = vector.broadcast %broadcast_in_dim3A_75 : i32 to vector<16xi32>
    %gather3A_77 = tpu.vector_load_idx %arg5[%add3A_74, %broadcast_in_dim3A_76] : memref<256x4xf32, #tpu.memory_space<vmem>>[vector<16xi32>, vector<16xi32>], vector<16xf32>,
    %add3A_78 = arith.constant 16 : i32
    %add3A_79 = vector.broadcast %add3A_78 : i32 to vector<16xi32>
    %add3A_80 = arith.addi %iota3A, %add3A_79 : vector<16xi32>
    %broadcast_in_dim3A_81 = arith.constant 3 : i32
    %broadcast_in_dim3A_82 = vector.broadcast %broadcast_in_dim3A_81 : i32 to vector<16xi32>
    %gather3A_83 = tpu.vector_load_idx %arg5[%add3A_80, %broadcast_in_dim3A_82] : memref<256x4xf32, #tpu.memory_space<vmem>>[vector<16xi32>, vector<16xi32>], vector<16xf32>,
    %add3A_84 = arith.constant 32 : i32
    %add3A_85 = vector.broadcast %add3A_84 : i32 to vector<16xi32>
    %add3A_86 = arith.addi %iota3A, %add3A_85 : vector<16xi32>
    %broadcast_in_dim3A_87 = arith.constant 0 : i32
    %broadcast_in_dim3A_88 = vector.broadcast %broadcast_in_dim3A_87 : i32 to vector<16xi32>
    %gather3A_89 = tpu.vector_load_idx %arg5[%add3A_86, %broadcast_in_dim3A_88] : memref<256x4xf32, #tpu.memory_space<vmem>>[vector<16xi32>, vector<16xi32>], vector<16xf32>,
    %add3A_90 = arith.constant 32 : i32
    %add3A_91 = vector.broadcast %add3A_90 : i32 to vector<16xi32>
    %add3A_92 = arith.addi %iota3A, %add3A_91 : vector<16xi32>
    %broadcast_in_dim3A_93 = arith.constant 1 : i32
    %broadcast_in_dim3A_94 = vector.broadcast %broadcast_in_dim3A_93 : i32 to vector<16xi32>
    %gather3A_95 = tpu.vector_load_idx %arg5[%add3A_92, %broadcast_in_dim3A_94] : memref<256x4xf32, #tpu.memory_space<vmem>>[vector<16xi32>, vector<16xi32>], vector<16xf32>,
    %add3A_96 = arith.constant 32 : i32
    %add3A_97 = vector.broadcast %add3A_96 : i32 to vector<16xi32>
    %add3A_98 = arith.addi %iota3A, %add3A_97 : vector<16xi32>
    %broadcast_in_dim3A_99 = arith.constant 2 : i32
    %broadcast_in_dim3A_100 = vector.broadcast %broadcast_in_dim3A_99 : i32 to vector<16xi32>
    %gather3A_101 = tpu.vector_load_idx %arg5[%add3A_98, %broadcast_in_dim3A_100] : memref<256x4xf32, #tpu.memory_space<vmem>>[vector<16xi32>, vector<16xi32>], vector<16xf32>,
    %add3A_102 = arith.constant 32 : i32
    %add3A_103 = vector.broadcast %add3A_102 : i32 to vector<16xi32>
    %add3A_104 = arith.addi %iota3A, %add3A_103 : vector<16xi32>
    %broadcast_in_dim3A_105 = arith.constant 3 : i32
    %broadcast_in_dim3A_106 = vector.broadcast %broadcast_in_dim3A_105 : i32 to vector<16xi32>
    %gather3A_107 = tpu.vector_load_idx %arg5[%add3A_104, %broadcast_in_dim3A_106] : memref<256x4xf32, #tpu.memory_space<vmem>>[vector<16xi32>, vector<16xi32>], vector<16xf32>,
    %add3A_108 = arith.constant 48 : i32
    %add3A_109 = vector.broadcast %add3A_108 : i32 to vector<16xi32>
    %add3A_110 = arith.addi %iota3A, %add3A_109 : vector<16xi32>
    %broadcast_in_dim3A_111 = arith.constant 0 : i32
    %broadcast_in_dim3A_112 = vector.broadcast %broadcast_in_dim3A_111 : i32 to vector<16xi32>
    %gather3A_113 = tpu.vector_load_idx %arg5[%add3A_110, %broadcast_in_dim3A_112] : memref<256x4xf32, #tpu.memory_space<vmem>>[vector<16xi32>, vector<16xi32>], vector<16xf32>,
    %add3A_114 = arith.constant 48 : i32
    %add3A_115 = vector.broadcast %add3A_114 : i32 to vector<16xi32>
    %add3A_116 = arith.addi %iota3A, %add3A_115 : vector<16xi32>
    %broadcast_in_dim3A_117 = arith.constant 1 : i32
    %broadcast_in_dim3A_118 = vector.broadcast %broadcast_in_dim3A_117 : i32 to vector<16xi32>
    %gather3A_119 = tpu.vector_load_idx %arg5[%add3A_116, %broadcast_in_dim3A_118] : memref<256x4xf32, #tpu.memory_space<vmem>>[vector<16xi32>, vector<16xi32>], vector<16xf32>,
    %add3A_120 = arith.constant 48 : i32
    %add3A_121 = vector.broadcast %add3A_120 : i32 to vector<16xi32>
    %add3A_122 = arith.addi %iota3A, %add3A_121 : vector<16xi32>
    %broadcast_in_dim3A_123 = arith.constant 2 : i32
    %broadcast_in_dim3A_124 = vector.broadcast %broadcast_in_dim3A_123 : i32 to vector<16xi32>
    %gather3A_125 = tpu.vector_load_idx %arg5[%add3A_122, %broadcast_in_dim3A_124] : memref<256x4xf32, #tpu.memory_space<vmem>>[vector<16xi32>, vector<16xi32>], vector<16xf32>,
    %add3A_126 = arith.constant 48 : i32
    %add3A_127 = vector.broadcast %add3A_126 : i32 to vector<16xi32>
    %add3A_128 = arith.addi %iota3A, %add3A_127 : vector<16xi32>
    %broadcast_in_dim3A_129 = arith.constant 3 : i32
    %broadcast_in_dim3A_130 = vector.broadcast %broadcast_in_dim3A_129 : i32 to vector<16xi32>
    %gather3A_131 = tpu.vector_load_idx %arg5[%add3A_128, %broadcast_in_dim3A_130] : memref<256x4xf32, #tpu.memory_space<vmem>>[vector<16xi32>, vector<16xi32>], vector<16xf32>,
    %add3A_132 = arith.constant 64 : i32
    %add3A_133 = vector.broadcast %add3A_132 : i32 to vector<16xi32>
    %add3A_134 = arith.addi %iota3A, %add3A_133 : vector<16xi32>
    %broadcast_in_dim3A_135 = arith.constant 0 : i32
    %broadcast_in_dim3A_136 = vector.broadcast %broadcast_in_dim3A_135 : i32 to vector<16xi32>
    %gather3A_137 = tpu.vector_load_idx %arg5[%add3A_134, %broadcast_in_dim3A_136] : memref<256x4xf32, #tpu.memory_space<vmem>>[vector<16xi32>, vector<16xi32>], vector<16xf32>,
    %add3A_138 = arith.constant 64 : i32
    %add3A_139 = vector.broadcast %add3A_138 : i32 to vector<16xi32>
    %add3A_140 = arith.addi %iota3A, %add3A_139 : vector<16xi32>
    %broadcast_in_dim3A_141 = arith.constant 1 : i32
    %broadcast_in_dim3A_142 = vector.broadcast %broadcast_in_dim3A_141 : i32 to vector<16xi32>
    %gather3A_143 = tpu.vector_load_idx %arg5[%add3A_140, %broadcast_in_dim3A_142] : memref<256x4xf32, #tpu.memory_space<vmem>>[vector<16xi32>, vector<16xi32>], vector<16xf32>,
    %add3A_144 = arith.constant 64 : i32
    %add3A_145 = vector.broadcast %add3A_144 : i32 to vector<16xi32>
    %add3A_146 = arith.addi %iota3A, %add3A_145 : vector<16xi32>
    %broadcast_in_dim3A_147 = arith.constant 2 : i32
    %broadcast_in_dim3A_148 = vector.broadcast %broadcast_in_dim3A_147 : i32 to vector<16xi32>
    %gather3A_149 = tpu.vector_load_idx %arg5[%add3A_146, %broadcast_in_dim3A_148] : memref<256x4xf32, #tpu.memory_space<vmem>>[vector<16xi32>, vector<16xi32>], vector<16xf32>,
    %add3A_150 = arith.constant 64 : i32
    %add3A_151 = vector.broadcast %add3A_150 : i32 to vector<16xi32>
    %add3A_152 = arith.addi %iota3A, %add3A_151 : vector<16xi32>
    %broadcast_in_dim3A_153 = arith.constant 3 : i32
    %broadcast_in_dim3A_154 = vector.broadcast %broadcast_in_dim3A_153 : i32 to vector<16xi32>
    %gather3A_155 = tpu.vector_load_idx %arg5[%add3A_152, %broadcast_in_dim3A_154] : memref<256x4xf32, #tpu.memory_space<vmem>>[vector<16xi32>, vector<16xi32>], vector<16xf32>,
    %add3A_156 = arith.constant 80 : i32
    %add3A_157 = vector.broadcast %add3A_156 : i32 to vector<16xi32>
    %add3A_158 = arith.addi %iota3A, %add3A_157 : vector<16xi32>
    %broadcast_in_dim3A_159 = arith.constant 0 : i32
    %broadcast_in_dim3A_160 = vector.broadcast %broadcast_in_dim3A_159 : i32 to vector<16xi32>
    %gather3A_161 = tpu.vector_load_idx %arg5[%add3A_158, %broadcast_in_dim3A_160] : memref<256x4xf32, #tpu.memory_space<vmem>>[vector<16xi32>, vector<16xi32>], vector<16xf32>,
    %add3A_162 = arith.constant 80 : i32
    %add3A_163 = vector.broadcast %add3A_162 : i32 to vector<16xi32>
    %add3A_164 = arith.addi %iota3A, %add3A_163 : vector<16xi32>
    %broadcast_in_dim3A_165 = arith.constant 1 : i32
    %broadcast_in_dim3A_166 = vector.broadcast %broadcast_in_dim3A_165 : i32 to vector<16xi32>
    %gather3A_167 = tpu.vector_load_idx %arg5[%add3A_164, %broadcast_in_dim3A_166] : memref<256x4xf32, #tpu.memory_space<vmem>>[vector<16xi32>, vector<16xi32>], vector<16xf32>,
    %add3A_168 = arith.constant 80 : i32
    %add3A_169 = vector.broadcast %add3A_168 : i32 to vector<16xi32>
    %add3A_170 = arith.addi %iota3A, %add3A_169 : vector<16xi32>
    %broadcast_in_dim3A_171 = arith.constant 2 : i32
    %broadcast_in_dim3A_172 = vector.broadcast %broadcast_in_dim3A_171 : i32 to vector<16xi32>
    %gather3A_173 = tpu.vector_load_idx %arg5[%add3A_170, %broadcast_in_dim3A_172] : memref<256x4xf32, #tpu.memory_space<vmem>>[vector<16xi32>, vector<16xi32>], vector<16xf32>,
    %add3A_174 = arith.constant 80 : i32
    %add3A_175 = vector.broadcast %add3A_174 : i32 to vector<16xi32>
    %add3A_176 = arith.addi %iota3A, %add3A_175 : vector<16xi32>
    %broadcast_in_dim3A_177 = arith.constant 3 : i32
    %broadcast_in_dim3A_178 = vector.broadcast %broadcast_in_dim3A_177 : i32 to vector<16xi32>
    %gather3A_179 = tpu.vector_load_idx %arg5[%add3A_176, %broadcast_in_dim3A_178] : memref<256x4xf32, #tpu.memory_space<vmem>>[vector<16xi32>, vector<16xi32>], vector<16xf32>,
    %add3A_180 = arith.constant 96 : i32
    %add3A_181 = vector.broadcast %add3A_180 : i32 to vector<16xi32>
    %add3A_182 = arith.addi %iota3A, %add3A_181 : vector<16xi32>
    %broadcast_in_dim3A_183 = arith.constant 0 : i32
    %broadcast_in_dim3A_184 = vector.broadcast %broadcast_in_dim3A_183 : i32 to vector<16xi32>
    %gather3A_185 = tpu.vector_load_idx %arg5[%add3A_182, %broadcast_in_dim3A_184] : memref<256x4xf32, #tpu.memory_space<vmem>>[vector<16xi32>, vector<16xi32>], vector<16xf32>,
    %add3A_186 = arith.constant 96 : i32
    %add3A_187 = vector.broadcast %add3A_186 : i32 to vector<16xi32>
    %add3A_188 = arith.addi %iota3A, %add3A_187 : vector<16xi32>
    %broadcast_in_dim3A_189 = arith.constant 1 : i32
    %broadcast_in_dim3A_190 = vector.broadcast %broadcast_in_dim3A_189 : i32 to vector<16xi32>
    %gather3A_191 = tpu.vector_load_idx %arg5[%add3A_188, %broadcast_in_dim3A_190] : memref<256x4xf32, #tpu.memory_space<vmem>>[vector<16xi32>, vector<16xi32>], vector<16xf32>,
    %add3A_192 = arith.constant 96 : i32
    %add3A_193 = vector.broadcast %add3A_192 : i32 to vector<16xi32>
    %add3A_194 = arith.addi %iota3A, %add3A_193 : vector<16xi32>
    %broadcast_in_dim3A_195 = arith.constant 2 : i32
    %broadcast_in_dim3A_196 = vector.broadcast %broadcast_in_dim3A_195 : i32 to vector<16xi32>
    %gather3A_197 = tpu.vector_load_idx %arg5[%add3A_194, %broadcast_in_dim3A_196] : memref<256x4xf32, #tpu.memory_space<vmem>>[vector<16xi32>, vector<16xi32>], vector<16xf32>,
    %add3A_198 = arith.constant 96 : i32
    %add3A_199 = vector.broadcast %add3A_198 : i32 to vector<16xi32>
    %add3A_200 = arith.addi %iota3A, %add3A_199 : vector<16xi32>
    %broadcast_in_dim3A_201 = arith.constant 3 : i32
    %broadcast_in_dim3A_202 = vector.broadcast %broadcast_in_dim3A_201 : i32 to vector<16xi32>
    %gather3A_203 = tpu.vector_load_idx %arg5[%add3A_200, %broadcast_in_dim3A_202] : memref<256x4xf32, #tpu.memory_space<vmem>>[vector<16xi32>, vector<16xi32>], vector<16xf32>,
    %add3A_204 = arith.constant 112 : i32
    %add3A_205 = vector.broadcast %add3A_204 : i32 to vector<16xi32>
    %add3A_206 = arith.addi %iota3A, %add3A_205 : vector<16xi32>
    %broadcast_in_dim3A_207 = arith.constant 0 : i32
    %broadcast_in_dim3A_208 = vector.broadcast %broadcast_in_dim3A_207 : i32 to vector<16xi32>
    %gather3A_209 = tpu.vector_load_idx %arg5[%add3A_206, %broadcast_in_dim3A_208] : memref<256x4xf32, #tpu.memory_space<vmem>>[vector<16xi32>, vector<16xi32>], vector<16xf32>,
    %add3A_210 = arith.constant 112 : i32
    %add3A_211 = vector.broadcast %add3A_210 : i32 to vector<16xi32>
    %add3A_212 = arith.addi %iota3A, %add3A_211 : vector<16xi32>
    %broadcast_in_dim3A_213 = arith.constant 1 : i32
    %broadcast_in_dim3A_214 = vector.broadcast %broadcast_in_dim3A_213 : i32 to vector<16xi32>
    %gather3A_215 = tpu.vector_load_idx %arg5[%add3A_212, %broadcast_in_dim3A_214] : memref<256x4xf32, #tpu.memory_space<vmem>>[vector<16xi32>, vector<16xi32>], vector<16xf32>,
    %add3A_216 = arith.constant 112 : i32
    %add3A_217 = vector.broadcast %add3A_216 : i32 to vector<16xi32>
    %add3A_218 = arith.addi %iota3A, %add3A_217 : vector<16xi32>
    %broadcast_in_dim3A_219 = arith.constant 2 : i32
    %broadcast_in_dim3A_220 = vector.broadcast %broadcast_in_dim3A_219 : i32 to vector<16xi32>
    %gather3A_221 = tpu.vector_load_idx %arg5[%add3A_218, %broadcast_in_dim3A_220] : memref<256x4xf32, #tpu.memory_space<vmem>>[vector<16xi32>, vector<16xi32>], vector<16xf32>,
    %add3A_222 = arith.constant 112 : i32
    %add3A_223 = vector.broadcast %add3A_222 : i32 to vector<16xi32>
    %add3A_224 = arith.addi %iota3A, %add3A_223 : vector<16xi32>
    %broadcast_in_dim3A_225 = arith.constant 3 : i32
    %broadcast_in_dim3A_226 = vector.broadcast %broadcast_in_dim3A_225 : i32 to vector<16xi32>
    %gather3A_227 = tpu.vector_load_idx %arg5[%add3A_224, %broadcast_in_dim3A_226] : memref<256x4xf32, #tpu.memory_space<vmem>>[vector<16xi32>, vector<16xi32>], vector<16xf32>,
    %broadcast_in_dim3A_228 = arith.constant 1.000000e+30 : f32
    %broadcast_in_dim3A_229 = vector.broadcast %broadcast_in_dim3A_228 : f32 to vector<16xf32>
    %broadcast_in_dim3A_230 = arith.constant 1.000000e+30 : f32
    %broadcast_in_dim3A_231 = vector.broadcast %broadcast_in_dim3A_230 : f32 to vector<16xf32>
    %broadcast_in_dim3A_232 = arith.constant 1.000000e+30 : f32
    %broadcast_in_dim3A_233 = vector.broadcast %broadcast_in_dim3A_232 : f32 to vector<16xf32>
    %broadcast_in_dim3A_234 = arith.constant 1.000000e+30 : f32
    %broadcast_in_dim3A_235 = vector.broadcast %broadcast_in_dim3A_234 : f32 to vector<16xf32>
    %broadcast_in_dim3A_236 = arith.constant 1.000000e+30 : f32
    %broadcast_in_dim3A_237 = vector.broadcast %broadcast_in_dim3A_236 : f32 to vector<16xf32>
    %broadcast_in_dim3A_238 = arith.constant 1.000000e+30 : f32
    %broadcast_in_dim3A_239 = vector.broadcast %broadcast_in_dim3A_238 : f32 to vector<16xf32>
    %broadcast_in_dim3A_240 = arith.constant 1.000000e+30 : f32
    %broadcast_in_dim3A_241 = vector.broadcast %broadcast_in_dim3A_240 : f32 to vector<16xf32>
    %broadcast_in_dim3A_242 = arith.constant 1.000000e+30 : f32
    %broadcast_in_dim3A_243 = vector.broadcast %broadcast_in_dim3A_242 : f32 to vector<16xf32>
    %scan3A_244 = arith.constant 0 : i32
    %scan3A_245 = arith.constant 512 : i32
    %scan3A_246 = arith.addi %scan3A_244, %scan3A_245 : i32
    %scan3A_247 = arith.constant 1 : i32
    %scan3A_248:8 = scf.for %scan3A_672 = %scan3A_244 to %scan3A_246 step %scan3A_247 iter_args(%scan3A_673 = %broadcast_in_dim3A_229, %scan3A_674 = %broadcast_in_dim3A_231, %scan3A_675 = %broadcast_in_dim3A_233, %scan3A_676 = %broadcast_in_dim3A_235, %scan3A_677 = %broadcast_in_dim3A_237, %scan3A_678 = %broadcast_in_dim3A_239, %scan3A_679 = %broadcast_in_dim3A_241, %scan3A_680 = %broadcast_in_dim3A_243) -> (vector<16xf32>, vector<16xf32>, vector<16xf32>, vector<16xf32>, vector<16xf32>, vector<16xf32>, vector<16xf32>, vector<16xf32>)  : i32 {
      %add3A_681 = arith.constant 0 : i32
      %add3A_682 = arith.addi %scan3A_672, %add3A_681 : i32
      %broadcast_in_dim3A_683 = vector.broadcast %add3A_682 : i32 to vector<16xi32>
      %gather3A_684 = tpu.vector_load_idx %arg6[%broadcast_in_dim3A_683] : memref<2560xf32, #tpu.memory_space<vmem>>[vector<16xi32>], vector<16xf32>,
      %add3A_685 = arith.constant 512 : i32
      %add3A_686 = arith.addi %scan3A_672, %add3A_685 : i32
      %broadcast_in_dim3A_687 = vector.broadcast %add3A_686 : i32 to vector<16xi32>
      %gather3A_688 = tpu.vector_load_idx %arg6[%broadcast_in_dim3A_687] : memref<2560xf32, #tpu.memory_space<vmem>>[vector<16xi32>], vector<16xf32>,
      %add3A_689 = arith.constant 1024 : i32
      %add3A_690 = arith.addi %scan3A_672, %add3A_689 : i32
      %broadcast_in_dim3A_691 = vector.broadcast %add3A_690 : i32 to vector<16xi32>
      %gather3A_692 = tpu.vector_load_idx %arg6[%broadcast_in_dim3A_691] : memref<2560xf32, #tpu.memory_space<vmem>>[vector<16xi32>], vector<16xf32>,
      %add3A_693 = arith.constant 1536 : i32
      %add3A_694 = arith.addi %scan3A_672, %add3A_693 : i32
      %broadcast_in_dim3A_695 = vector.broadcast %add3A_694 : i32 to vector<16xi32>
      %gather3A_696 = tpu.vector_load_idx %arg6[%broadcast_in_dim3A_695] : memref<2560xf32, #tpu.memory_space<vmem>>[vector<16xi32>], vector<16xf32>,
      %add3A_697 = arith.constant 2048 : i32
      %add3A_698 = arith.addi %scan3A_672, %add3A_697 : i32
      %broadcast_in_dim3A_699 = vector.broadcast %add3A_698 : i32 to vector<16xi32>
      %gather3A_700 = tpu.vector_load_idx %arg6[%broadcast_in_dim3A_699] : memref<2560xf32, #tpu.memory_space<vmem>>[vector<16xi32>], vector<16xf32>,
      %min3A = arith.minimumf %gather3A, %gather3A_684 : vector<16xf32>
      %min3A_701 = arith.minimumf %gather3A_47, %gather3A_688 : vector<16xf32>
      %add3A_702 = arith.addf %min3A, %min3A_701 : vector<16xf32>
      %min3A_703 = arith.minimumf %gather3A_53, %gather3A_692 : vector<16xf32>
      %add3A_704 = arith.addf %add3A_702, %min3A_703 : vector<16xf32>
      %min3A_705 = arith.minimumf %gather3A_59, %gather3A_696 : vector<16xf32>
      %add3A_706 = arith.addf %add3A_704, %min3A_705 : vector<16xf32>
      %sub3A_707 = arith.subf %gather3A_700, %add3A_706 : vector<16xf32>
      %min3A_708 = arith.minimumf %scan3A_673, %sub3A_707 : vector<16xf32>
      %min3A_709 = arith.minimumf %gather3A_65, %gather3A_684 : vector<16xf32>
      %min3A_710 = arith.minimumf %gather3A_71, %gather3A_688 : vector<16xf32>
      %add3A_711 = arith.addf %min3A_709, %min3A_710 : vector<16xf32>
      %min3A_712 = arith.minimumf %gather3A_77, %gather3A_692 : vector<16xf32>
      %add3A_713 = arith.addf %add3A_711, %min3A_712 : vector<16xf32>
      %min3A_714 = arith.minimumf %gather3A_83, %gather3A_696 : vector<16xf32>
      %add3A_715 = arith.addf %add3A_713, %min3A_714 : vector<16xf32>
      %sub3A_716 = arith.subf %gather3A_700, %add3A_715 : vector<16xf32>
      %min3A_717 = arith.minimumf %scan3A_674, %sub3A_716 : vector<16xf32>
      %min3A_718 = arith.minimumf %gather3A_89, %gather3A_684 : vector<16xf32>
      %min3A_719 = arith.minimumf %gather3A_95, %gather3A_688 : vector<16xf32>
      %add3A_720 = arith.addf %min3A_718, %min3A_719 : vector<16xf32>
      %min3A_721 = arith.minimumf %gather3A_101, %gather3A_692 : vector<16xf32>
      %add3A_722 = arith.addf %add3A_720, %min3A_721 : vector<16xf32>
      %min3A_723 = arith.minimumf %gather3A_107, %gather3A_696 : vector<16xf32>
      %add3A_724 = arith.addf %add3A_722, %min3A_723 : vector<16xf32>
      %sub3A_725 = arith.subf %gather3A_700, %add3A_724 : vector<16xf32>
      %min3A_726 = arith.minimumf %scan3A_675, %sub3A_725 : vector<16xf32>
      %min3A_727 = arith.minimumf %gather3A_113, %gather3A_684 : vector<16xf32>
      %min3A_728 = arith.minimumf %gather3A_119, %gather3A_688 : vector<16xf32>
      %add3A_729 = arith.addf %min3A_727, %min3A_728 : vector<16xf32>
      %min3A_730 = arith.minimumf %gather3A_125, %gather3A_692 : vector<16xf32>
      %add3A_731 = arith.addf %add3A_729, %min3A_730 : vector<16xf32>
      %min3A_732 = arith.minimumf %gather3A_131, %gather3A_696 : vector<16xf32>
      %add3A_733 = arith.addf %add3A_731, %min3A_732 : vector<16xf32>
      %sub3A_734 = arith.subf %gather3A_700, %add3A_733 : vector<16xf32>
      %min3A_735 = arith.minimumf %scan3A_676, %sub3A_734 : vector<16xf32>
      %min3A_736 = arith.minimumf %gather3A_137, %gather3A_684 : vector<16xf32>
      %min3A_737 = arith.minimumf %gather3A_143, %gather3A_688 : vector<16xf32>
      %add3A_738 = arith.addf %min3A_736, %min3A_737 : vector<16xf32>
      %min3A_739 = arith.minimumf %gather3A_149, %gather3A_692 : vector<16xf32>
      %add3A_740 = arith.addf %add3A_738, %min3A_739 : vector<16xf32>
      %min3A_741 = arith.minimumf %gather3A_155, %gather3A_696 : vector<16xf32>
      %add3A_742 = arith.addf %add3A_740, %min3A_741 : vector<16xf32>
      %sub3A_743 = arith.subf %gather3A_700, %add3A_742 : vector<16xf32>
      %min3A_744 = arith.minimumf %scan3A_677, %sub3A_743 : vector<16xf32>
      %min3A_745 = arith.minimumf %gather3A_161, %gather3A_684 : vector<16xf32>
      %min3A_746 = arith.minimumf %gather3A_167, %gather3A_688 : vector<16xf32>
      %add3A_747 = arith.addf %min3A_745, %min3A_746 : vector<16xf32>
      %min3A_748 = arith.minimumf %gather3A_173, %gather3A_692 : vector<16xf32>
      %add3A_749 = arith.addf %add3A_747, %min3A_748 : vector<16xf32>
      %min3A_750 = arith.minimumf %gather3A_179, %gather3A_696 : vector<16xf32>
      %add3A_751 = arith.addf %add3A_749, %min3A_750 : vector<16xf32>
      %sub3A_752 = arith.subf %gather3A_700, %add3A_751 : vector<16xf32>
      %min3A_753 = arith.minimumf %scan3A_678, %sub3A_752 : vector<16xf32>
      %min3A_754 = arith.minimumf %gather3A_185, %gather3A_684 : vector<16xf32>
      %min3A_755 = arith.minimumf %gather3A_191, %gather3A_688 : vector<16xf32>
      %add3A_756 = arith.addf %min3A_754, %min3A_755 : vector<16xf32>
      %min3A_757 = arith.minimumf %gather3A_197, %gather3A_692 : vector<16xf32>
      %add3A_758 = arith.addf %add3A_756, %min3A_757 : vector<16xf32>
      %min3A_759 = arith.minimumf %gather3A_203, %gather3A_696 : vector<16xf32>
      %add3A_760 = arith.addf %add3A_758, %min3A_759 : vector<16xf32>
      %sub3A_761 = arith.subf %gather3A_700, %add3A_760 : vector<16xf32>
      %min3A_762 = arith.minimumf %scan3A_679, %sub3A_761 : vector<16xf32>
      %min3A_763 = arith.minimumf %gather3A_209, %gather3A_684 : vector<16xf32>
      %min3A_764 = arith.minimumf %gather3A_215, %gather3A_688 : vector<16xf32>
      %add3A_765 = arith.addf %min3A_763, %min3A_764 : vector<16xf32>
      %min3A_766 = arith.minimumf %gather3A_221, %gather3A_692 : vector<16xf32>
      %add3A_767 = arith.addf %add3A_765, %min3A_766 : vector<16xf32>
      %min3A_768 = arith.minimumf %gather3A_227, %gather3A_696 : vector<16xf32>
      %add3A_769 = arith.addf %add3A_767, %min3A_768 : vector<16xf32>
      %sub3A_770 = arith.subf %gather3A_700, %add3A_769 : vector<16xf32>
      %min3A_771 = arith.minimumf %scan3A_680, %sub3A_770 : vector<16xf32>
      scf.yield %min3A_708, %min3A_717, %min3A_726, %min3A_735, %min3A_744, %min3A_753, %min3A_762, %min3A_771 : vector<16xf32>, vector<16xf32>, vector<16xf32>, vector<16xf32>, vector<16xf32>, vector<16xf32>, vector<16xf32>, vector<16xf32>
    }
    %scan3A_249 = arith.constant 512 : i32
    %add3A_250 = arith.addf %gather3A, %gather3A_47 : vector<16xf32>
    %add3A_251 = arith.addf %add3A_250, %gather3A_53 : vector<16xf32>
    %add3A_252 = arith.addf %add3A_251, %gather3A_59 : vector<16xf32>
    %add3A_253 = arith.addf %add3A_252, %scan3A_248#0 : vector<16xf32>
    %add3A_254 = arith.addf %add3A_253, %scan3A_248#0 : vector<16xf32>
    %ge3A = arith.constant 1.000000e+08 : f32
    %ge3A_255 = vector.broadcast %ge3A : f32 to vector<16xf32>
    %ge3A_256 = arith.cmpf oge, %add3A_254, %ge3A_255 : vector<16xf32>
    %jit3A_257 = arith.constant 0.000000e+00 : f32
    %broadcast_in_dim3A_258 = vector.broadcast %jit3A_257 : f32 to vector<16xf32>
    %select_n3A_259 = arith.select %ge3A_256, %broadcast_in_dim3A_258, %add3A_254 : vector<16xi1>, vector<16xf32>
    %swap3A = arith.constant 0 : index
    %swap3A_260 = tpu.vector_load %arg7[%swap3A] {strides = array<i32>} : memref<256xf32, #tpu.memory_space<vmem>>, vector<16xf32>,
    tpu.vector_store %arg7[%swap3A], %select_n3A_259 {strides = array<i32>} : memref<256xf32, #tpu.memory_space<vmem>>, vector<16xf32>,
    %add3A_261 = arith.addf %gather3A_65, %gather3A_71 : vector<16xf32>
    %add3A_262 = arith.addf %add3A_261, %gather3A_77 : vector<16xf32>
    %add3A_263 = arith.addf %add3A_262, %gather3A_83 : vector<16xf32>
    %add3A_264 = arith.addf %add3A_263, %scan3A_248#1 : vector<16xf32>
    %add3A_265 = arith.addf %add3A_264, %scan3A_248#1 : vector<16xf32>
    %ge3A_266 = arith.constant 1.000000e+08 : f32
    %ge3A_267 = vector.broadcast %ge3A_266 : f32 to vector<16xf32>
    %ge3A_268 = arith.cmpf oge, %add3A_265, %ge3A_267 : vector<16xf32>
    %jit3A_269 = arith.constant 0.000000e+00 : f32
    %broadcast_in_dim3A_270 = vector.broadcast %jit3A_269 : f32 to vector<16xf32>
    %select_n3A_271 = arith.select %ge3A_268, %broadcast_in_dim3A_270, %add3A_265 : vector<16xi1>, vector<16xf32>
    %swap3A_272 = arith.constant 16 : index
    %swap3A_273 = tpu.vector_load %arg7[%swap3A_272] {strides = array<i32>} : memref<256xf32, #tpu.memory_space<vmem>>, vector<16xf32>,
    tpu.vector_store %arg7[%swap3A_272], %select_n3A_271 {strides = array<i32>} : memref<256xf32, #tpu.memory_space<vmem>>, vector<16xf32>,
    %add3A_274 = arith.addf %gather3A_89, %gather3A_95 : vector<16xf32>
    %add3A_275 = arith.addf %add3A_274, %gather3A_101 : vector<16xf32>
    %add3A_276 = arith.addf %add3A_275, %gather3A_107 : vector<16xf32>
    %add3A_277 = arith.addf %add3A_276, %scan3A_248#2 : vector<16xf32>
    %add3A_278 = arith.addf %add3A_277, %scan3A_248#2 : vector<16xf32>
    %ge3A_279 = arith.constant 1.000000e+08 : f32
    %ge3A_280 = vector.broadcast %ge3A_279 : f32 to vector<16xf32>
    %ge3A_281 = arith.cmpf oge, %add3A_278, %ge3A_280 : vector<16xf32>
    %jit3A_282 = arith.constant 0.000000e+00 : f32
    %broadcast_in_dim3A_283 = vector.broadcast %jit3A_282 : f32 to vector<16xf32>
    %select_n3A_284 = arith.select %ge3A_281, %broadcast_in_dim3A_283, %add3A_278 : vector<16xi1>, vector<16xf32>
    %swap3A_285 = arith.constant 32 : index
    %swap3A_286 = tpu.vector_load %arg7[%swap3A_285] {strides = array<i32>} : memref<256xf32, #tpu.memory_space<vmem>>, vector<16xf32>,
    tpu.vector_store %arg7[%swap3A_285], %select_n3A_284 {strides = array<i32>} : memref<256xf32, #tpu.memory_space<vmem>>, vector<16xf32>,
    %add3A_287 = arith.addf %gather3A_113, %gather3A_119 : vector<16xf32>
    %add3A_288 = arith.addf %add3A_287, %gather3A_125 : vector<16xf32>
    %add3A_289 = arith.addf %add3A_288, %gather3A_131 : vector<16xf32>
    %add3A_290 = arith.addf %add3A_289, %scan3A_248#3 : vector<16xf32>
    %add3A_291 = arith.addf %add3A_290, %scan3A_248#3 : vector<16xf32>
    %ge3A_292 = arith.constant 1.000000e+08 : f32
    %ge3A_293 = vector.broadcast %ge3A_292 : f32 to vector<16xf32>
    %ge3A_294 = arith.cmpf oge, %add3A_291, %ge3A_293 : vector<16xf32>
    %jit3A_295 = arith.constant 0.000000e+00 : f32
    %broadcast_in_dim3A_296 = vector.broadcast %jit3A_295 : f32 to vector<16xf32>
    %select_n3A_297 = arith.select %ge3A_294, %broadcast_in_dim3A_296, %add3A_291 : vector<16xi1>, vector<16xf32>
    %swap3A_298 = arith.constant 48 : index
    %swap3A_299 = tpu.vector_load %arg7[%swap3A_298] {strides = array<i32>} : memref<256xf32, #tpu.memory_space<vmem>>, vector<16xf32>,
    tpu.vector_store %arg7[%swap3A_298], %select_n3A_297 {strides = array<i32>} : memref<256xf32, #tpu.memory_space<vmem>>, vector<16xf32>,
    %add3A_300 = arith.addf %gather3A_137, %gather3A_143 : vector<16xf32>
    %add3A_301 = arith.addf %add3A_300, %gather3A_149 : vector<16xf32>
    %add3A_302 = arith.addf %add3A_301, %gather3A_155 : vector<16xf32>
    %add3A_303 = arith.addf %add3A_302, %scan3A_248#4 : vector<16xf32>
    %add3A_304 = arith.addf %add3A_303, %scan3A_248#4 : vector<16xf32>
    %ge3A_305 = arith.constant 1.000000e+08 : f32
    %ge3A_306 = vector.broadcast %ge3A_305 : f32 to vector<16xf32>
    %ge3A_307 = arith.cmpf oge, %add3A_304, %ge3A_306 : vector<16xf32>
    %jit3A_308 = arith.constant 0.000000e+00 : f32
    %broadcast_in_dim3A_309 = vector.broadcast %jit3A_308 : f32 to vector<16xf32>
    %select_n3A_310 = arith.select %ge3A_307, %broadcast_in_dim3A_309, %add3A_304 : vector<16xi1>, vector<16xf32>
    %swap3A_311 = arith.constant 64 : index
    %swap3A_312 = tpu.vector_load %arg7[%swap3A_311] {strides = array<i32>} : memref<256xf32, #tpu.memory_space<vmem>>, vector<16xf32>,
    tpu.vector_store %arg7[%swap3A_311], %select_n3A_310 {strides = array<i32>} : memref<256xf32, #tpu.memory_space<vmem>>, vector<16xf32>,
    %add3A_313 = arith.addf %gather3A_161, %gather3A_167 : vector<16xf32>
    %add3A_314 = arith.addf %add3A_313, %gather3A_173 : vector<16xf32>
    %add3A_315 = arith.addf %add3A_314, %gather3A_179 : vector<16xf32>
    %add3A_316 = arith.addf %add3A_315, %scan3A_248#5 : vector<16xf32>
    %add3A_317 = arith.addf %add3A_316, %scan3A_248#5 : vector<16xf32>
    %ge3A_318 = arith.constant 1.000000e+08 : f32
    %ge3A_319 = vector.broadcast %ge3A_318 : f32 to vector<16xf32>
    %ge3A_320 = arith.cmpf oge, %add3A_317, %ge3A_319 : vector<16xf32>
    %jit3A_321 = arith.constant 0.000000e+00 : f32
    %broadcast_in_dim3A_322 = vector.broadcast %jit3A_321 : f32 to vector<16xf32>
    %select_n3A_323 = arith.select %ge3A_320, %broadcast_in_dim3A_322, %add3A_317 : vector<16xi1>, vector<16xf32>
    %swap3A_324 = arith.constant 80 : index
    %swap3A_325 = tpu.vector_load %arg7[%swap3A_324] {strides = array<i32>} : memref<256xf32, #tpu.memory_space<vmem>>, vector<16xf32>,
    tpu.vector_store %arg7[%swap3A_324], %select_n3A_323 {strides = array<i32>} : memref<256xf32, #tpu.memory_space<vmem>>, vector<16xf32>,
    %add3A_326 = arith.addf %gather3A_185, %gather3A_191 : vector<16xf32>
    %add3A_327 = arith.addf %add3A_326, %gather3A_197 : vector<16xf32>
    %add3A_328 = arith.addf %add3A_327, %gather3A_203 : vector<16xf32>
    %add3A_329 = arith.addf %add3A_328, %scan3A_248#6 : vector<16xf32>
    %add3A_330 = arith.addf %add3A_329, %scan3A_248#6 : vector<16xf32>
    %ge3A_331 = arith.constant 1.000000e+08 : f32
    %ge3A_332 = vector.broadcast %ge3A_331 : f32 to vector<16xf32>
    %ge3A_333 = arith.cmpf oge, %add3A_330, %ge3A_332 : vector<16xf32>
    %jit3A_334 = arith.constant 0.000000e+00 : f32
    %broadcast_in_dim3A_335 = vector.broadcast %jit3A_334 : f32 to vector<16xf32>
    %select_n3A_336 = arith.select %ge3A_333, %broadcast_in_dim3A_335, %add3A_330 : vector<16xi1>, vector<16xf32>
    %swap3A_337 = arith.constant 96 : index
    %swap3A_338 = tpu.vector_load %arg7[%swap3A_337] {strides = array<i32>} : memref<256xf32, #tpu.memory_space<vmem>>, vector<16xf32>,
    tpu.vector_store %arg7[%swap3A_337], %select_n3A_336 {strides = array<i32>} : memref<256xf32, #tpu.memory_space<vmem>>, vector<16xf32>,
    %add3A_339 = arith.addf %gather3A_209, %gather3A_215 : vector<16xf32>
    %add3A_340 = arith.addf %add3A_339, %gather3A_221 : vector<16xf32>
    %add3A_341 = arith.addf %add3A_340, %gather3A_227 : vector<16xf32>
    %add3A_342 = arith.addf %add3A_341, %scan3A_248#7 : vector<16xf32>
    %add3A_343 = arith.addf %add3A_342, %scan3A_248#7 : vector<16xf32>
    %ge3A_344 = arith.constant 1.000000e+08 : f32
    %ge3A_345 = vector.broadcast %ge3A_344 : f32 to vector<16xf32>
    %ge3A_346 = arith.cmpf oge, %add3A_343, %ge3A_345 : vector<16xf32>
    %jit3A_347 = arith.constant 0.000000e+00 : f32
    %broadcast_in_dim3A_348 = vector.broadcast %jit3A_347 : f32 to vector<16xf32>
    %select_n3A_349 = arith.select %ge3A_346, %broadcast_in_dim3A_348, %add3A_343 : vector<16xi1>, vector<16xf32>
    %swap3A_350 = arith.constant 112 : index
    %swap3A_351 = tpu.vector_load %arg7[%swap3A_350] {strides = array<i32>} : memref<256xf32, #tpu.memory_space<vmem>>, vector<16xf32>,
    tpu.vector_store %arg7[%swap3A_350], %select_n3A_349 {strides = array<i32>} : memref<256xf32, #tpu.memory_space<vmem>>, vector<16xf32>,
    %add3A_352 = arith.constant 128 : i32
    %add3A_353 = vector.broadcast %add3A_352 : i32 to vector<16xi32>
    %add3A_354 = arith.addi %iota3A, %add3A_353 : vector<16xi32>
    %broadcast_in_dim3A_355 = arith.constant 0 : i32
    %broadcast_in_dim3A_356 = vector.broadcast %broadcast_in_dim3A_355 : i32 to vector<16xi32>
    %gather3A_357 = tpu.vector_load_idx %arg5[%add3A_354, %broadcast_in_dim3A_356] : memref<256x4xf32, #tpu.memory_space<vmem>>[vector<16xi32>, vector<16xi32>], vector<16xf32>,
    %add3A_358 = arith.constant 128 : i32
    %add3A_359 = vector.broadcast %add3A_358 : i32 to vector<16xi32>
    %add3A_360 = arith.addi %iota3A, %add3A_359 : vector<16xi32>
    %broadcast_in_dim3A_361 = arith.constant 1 : i32
    %broadcast_in_dim3A_362 = vector.broadcast %broadcast_in_dim3A_361 : i32 to vector<16xi32>
    %gather3A_363 = tpu.vector_load_idx %arg5[%add3A_360, %broadcast_in_dim3A_362] : memref<256x4xf32, #tpu.memory_space<vmem>>[vector<16xi32>, vector<16xi32>], vector<16xf32>,
    %add3A_364 = arith.constant 128 : i32
    %add3A_365 = vector.broadcast %add3A_364 : i32 to vector<16xi32>
    %add3A_366 = arith.addi %iota3A, %add3A_365 : vector<16xi32>
    %broadcast_in_dim3A_367 = arith.constant 2 : i32
    %broadcast_in_dim3A_368 = vector.broadcast %broadcast_in_dim3A_367 : i32 to vector<16xi32>
    %gather3A_369 = tpu.vector_load_idx %arg5[%add3A_366, %broadcast_in_dim3A_368] : memref<256x4xf32, #tpu.memory_space<vmem>>[vector<16xi32>, vector<16xi32>], vector<16xf32>,
    %add3A_370 = arith.constant 128 : i32
    %add3A_371 = vector.broadcast %add3A_370 : i32 to vector<16xi32>
    %add3A_372 = arith.addi %iota3A, %add3A_371 : vector<16xi32>
    %broadcast_in_dim3A_373 = arith.constant 3 : i32
    %broadcast_in_dim3A_374 = vector.broadcast %broadcast_in_dim3A_373 : i32 to vector<16xi32>
    %gather3A_375 = tpu.vector_load_idx %arg5[%add3A_372, %broadcast_in_dim3A_374] : memref<256x4xf32, #tpu.memory_space<vmem>>[vector<16xi32>, vector<16xi32>], vector<16xf32>,
    %add3A_376 = arith.constant 144 : i32
    %add3A_377 = vector.broadcast %add3A_376 : i32 to vector<16xi32>
    %add3A_378 = arith.addi %iota3A, %add3A_377 : vector<16xi32>
    %broadcast_in_dim3A_379 = arith.constant 0 : i32
    %broadcast_in_dim3A_380 = vector.broadcast %broadcast_in_dim3A_379 : i32 to vector<16xi32>
    %gather3A_381 = tpu.vector_load_idx %arg5[%add3A_378, %broadcast_in_dim3A_380] : memref<256x4xf32, #tpu.memory_space<vmem>>[vector<16xi32>, vector<16xi32>], vector<16xf32>,
    %add3A_382 = arith.constant 144 : i32
    %add3A_383 = vector.broadcast %add3A_382 : i32 to vector<16xi32>
    %add3A_384 = arith.addi %iota3A, %add3A_383 : vector<16xi32>
    %broadcast_in_dim3A_385 = arith.constant 1 : i32
    %broadcast_in_dim3A_386 = vector.broadcast %broadcast_in_dim3A_385 : i32 to vector<16xi32>
    %gather3A_387 = tpu.vector_load_idx %arg5[%add3A_384, %broadcast_in_dim3A_386] : memref<256x4xf32, #tpu.memory_space<vmem>>[vector<16xi32>, vector<16xi32>], vector<16xf32>,
    %add3A_388 = arith.constant 144 : i32
    %add3A_389 = vector.broadcast %add3A_388 : i32 to vector<16xi32>
    %add3A_390 = arith.addi %iota3A, %add3A_389 : vector<16xi32>
    %broadcast_in_dim3A_391 = arith.constant 2 : i32
    %broadcast_in_dim3A_392 = vector.broadcast %broadcast_in_dim3A_391 : i32 to vector<16xi32>
    %gather3A_393 = tpu.vector_load_idx %arg5[%add3A_390, %broadcast_in_dim3A_392] : memref<256x4xf32, #tpu.memory_space<vmem>>[vector<16xi32>, vector<16xi32>], vector<16xf32>,
    %add3A_394 = arith.constant 144 : i32
    %add3A_395 = vector.broadcast %add3A_394 : i32 to vector<16xi32>
    %add3A_396 = arith.addi %iota3A, %add3A_395 : vector<16xi32>
    %broadcast_in_dim3A_397 = arith.constant 3 : i32
    %broadcast_in_dim3A_398 = vector.broadcast %broadcast_in_dim3A_397 : i32 to vector<16xi32>
    %gather3A_399 = tpu.vector_load_idx %arg5[%add3A_396, %broadcast_in_dim3A_398] : memref<256x4xf32, #tpu.memory_space<vmem>>[vector<16xi32>, vector<16xi32>], vector<16xf32>,
    %add3A_400 = arith.constant 160 : i32
    %add3A_401 = vector.broadcast %add3A_400 : i32 to vector<16xi32>
    %add3A_402 = arith.addi %iota3A, %add3A_401 : vector<16xi32>
    %broadcast_in_dim3A_403 = arith.constant 0 : i32
    %broadcast_in_dim3A_404 = vector.broadcast %broadcast_in_dim3A_403 : i32 to vector<16xi32>
    %gather3A_405 = tpu.vector_load_idx %arg5[%add3A_402, %broadcast_in_dim3A_404] : memref<256x4xf32, #tpu.memory_space<vmem>>[vector<16xi32>, vector<16xi32>], vector<16xf32>,
    %add3A_406 = arith.constant 160 : i32
    %add3A_407 = vector.broadcast %add3A_406 : i32 to vector<16xi32>
    %add3A_408 = arith.addi %iota3A, %add3A_407 : vector<16xi32>
    %broadcast_in_dim3A_409 = arith.constant 1 : i32
    %broadcast_in_dim3A_410 = vector.broadcast %broadcast_in_dim3A_409 : i32 to vector<16xi32>
    %gather3A_411 = tpu.vector_load_idx %arg5[%add3A_408, %broadcast_in_dim3A_410] : memref<256x4xf32, #tpu.memory_space<vmem>>[vector<16xi32>, vector<16xi32>], vector<16xf32>,
    %add3A_412 = arith.constant 160 : i32
    %add3A_413 = vector.broadcast %add3A_412 : i32 to vector<16xi32>
    %add3A_414 = arith.addi %iota3A, %add3A_413 : vector<16xi32>
    %broadcast_in_dim3A_415 = arith.constant 2 : i32
    %broadcast_in_dim3A_416 = vector.broadcast %broadcast_in_dim3A_415 : i32 to vector<16xi32>
    %gather3A_417 = tpu.vector_load_idx %arg5[%add3A_414, %broadcast_in_dim3A_416] : memref<256x4xf32, #tpu.memory_space<vmem>>[vector<16xi32>, vector<16xi32>], vector<16xf32>,
    %add3A_418 = arith.constant 160 : i32
    %add3A_419 = vector.broadcast %add3A_418 : i32 to vector<16xi32>
    %add3A_420 = arith.addi %iota3A, %add3A_419 : vector<16xi32>
    %broadcast_in_dim3A_421 = arith.constant 3 : i32
    %broadcast_in_dim3A_422 = vector.broadcast %broadcast_in_dim3A_421 : i32 to vector<16xi32>
    %gather3A_423 = tpu.vector_load_idx %arg5[%add3A_420, %broadcast_in_dim3A_422] : memref<256x4xf32, #tpu.memory_space<vmem>>[vector<16xi32>, vector<16xi32>], vector<16xf32>,
    %add3A_424 = arith.constant 176 : i32
    %add3A_425 = vector.broadcast %add3A_424 : i32 to vector<16xi32>
    %add3A_426 = arith.addi %iota3A, %add3A_425 : vector<16xi32>
    %broadcast_in_dim3A_427 = arith.constant 0 : i32
    %broadcast_in_dim3A_428 = vector.broadcast %broadcast_in_dim3A_427 : i32 to vector<16xi32>
    %gather3A_429 = tpu.vector_load_idx %arg5[%add3A_426, %broadcast_in_dim3A_428] : memref<256x4xf32, #tpu.memory_space<vmem>>[vector<16xi32>, vector<16xi32>], vector<16xf32>,
    %add3A_430 = arith.constant 176 : i32
    %add3A_431 = vector.broadcast %add3A_430 : i32 to vector<16xi32>
    %add3A_432 = arith.addi %iota3A, %add3A_431 : vector<16xi32>
    %broadcast_in_dim3A_433 = arith.constant 1 : i32
    %broadcast_in_dim3A_434 = vector.broadcast %broadcast_in_dim3A_433 : i32 to vector<16xi32>
    %gather3A_435 = tpu.vector_load_idx %arg5[%add3A_432, %broadcast_in_dim3A_434] : memref<256x4xf32, #tpu.memory_space<vmem>>[vector<16xi32>, vector<16xi32>], vector<16xf32>,
    %add3A_436 = arith.constant 176 : i32
    %add3A_437 = vector.broadcast %add3A_436 : i32 to vector<16xi32>
    %add3A_438 = arith.addi %iota3A, %add3A_437 : vector<16xi32>
    %broadcast_in_dim3A_439 = arith.constant 2 : i32
    %broadcast_in_dim3A_440 = vector.broadcast %broadcast_in_dim3A_439 : i32 to vector<16xi32>
    %gather3A_441 = tpu.vector_load_idx %arg5[%add3A_438, %broadcast_in_dim3A_440] : memref<256x4xf32, #tpu.memory_space<vmem>>[vector<16xi32>, vector<16xi32>], vector<16xf32>,
    %add3A_442 = arith.constant 176 : i32
    %add3A_443 = vector.broadcast %add3A_442 : i32 to vector<16xi32>
    %add3A_444 = arith.addi %iota3A, %add3A_443 : vector<16xi32>
    %broadcast_in_dim3A_445 = arith.constant 3 : i32
    %broadcast_in_dim3A_446 = vector.broadcast %broadcast_in_dim3A_445 : i32 to vector<16xi32>
    %gather3A_447 = tpu.vector_load_idx %arg5[%add3A_444, %broadcast_in_dim3A_446] : memref<256x4xf32, #tpu.memory_space<vmem>>[vector<16xi32>, vector<16xi32>], vector<16xf32>,
    %add3A_448 = arith.constant 192 : i32
    %add3A_449 = vector.broadcast %add3A_448 : i32 to vector<16xi32>
    %add3A_450 = arith.addi %iota3A, %add3A_449 : vector<16xi32>
    %broadcast_in_dim3A_451 = arith.constant 0 : i32
    %broadcast_in_dim3A_452 = vector.broadcast %broadcast_in_dim3A_451 : i32 to vector<16xi32>
    %gather3A_453 = tpu.vector_load_idx %arg5[%add3A_450, %broadcast_in_dim3A_452] : memref<256x4xf32, #tpu.memory_space<vmem>>[vector<16xi32>, vector<16xi32>], vector<16xf32>,
    %add3A_454 = arith.constant 192 : i32
    %add3A_455 = vector.broadcast %add3A_454 : i32 to vector<16xi32>
    %add3A_456 = arith.addi %iota3A, %add3A_455 : vector<16xi32>
    %broadcast_in_dim3A_457 = arith.constant 1 : i32
    %broadcast_in_dim3A_458 = vector.broadcast %broadcast_in_dim3A_457 : i32 to vector<16xi32>
    %gather3A_459 = tpu.vector_load_idx %arg5[%add3A_456, %broadcast_in_dim3A_458] : memref<256x4xf32, #tpu.memory_space<vmem>>[vector<16xi32>, vector<16xi32>], vector<16xf32>,
    %add3A_460 = arith.constant 192 : i32
    %add3A_461 = vector.broadcast %add3A_460 : i32 to vector<16xi32>
    %add3A_462 = arith.addi %iota3A, %add3A_461 : vector<16xi32>
    %broadcast_in_dim3A_463 = arith.constant 2 : i32
    %broadcast_in_dim3A_464 = vector.broadcast %broadcast_in_dim3A_463 : i32 to vector<16xi32>
    %gather3A_465 = tpu.vector_load_idx %arg5[%add3A_462, %broadcast_in_dim3A_464] : memref<256x4xf32, #tpu.memory_space<vmem>>[vector<16xi32>, vector<16xi32>], vector<16xf32>,
    %add3A_466 = arith.constant 192 : i32
    %add3A_467 = vector.broadcast %add3A_466 : i32 to vector<16xi32>
    %add3A_468 = arith.addi %iota3A, %add3A_467 : vector<16xi32>
    %broadcast_in_dim3A_469 = arith.constant 3 : i32
    %broadcast_in_dim3A_470 = vector.broadcast %broadcast_in_dim3A_469 : i32 to vector<16xi32>
    %gather3A_471 = tpu.vector_load_idx %arg5[%add3A_468, %broadcast_in_dim3A_470] : memref<256x4xf32, #tpu.memory_space<vmem>>[vector<16xi32>, vector<16xi32>], vector<16xf32>,
    %add3A_472 = arith.constant 208 : i32
    %add3A_473 = vector.broadcast %add3A_472 : i32 to vector<16xi32>
    %add3A_474 = arith.addi %iota3A, %add3A_473 : vector<16xi32>
    %broadcast_in_dim3A_475 = arith.constant 0 : i32
    %broadcast_in_dim3A_476 = vector.broadcast %broadcast_in_dim3A_475 : i32 to vector<16xi32>
    %gather3A_477 = tpu.vector_load_idx %arg5[%add3A_474, %broadcast_in_dim3A_476] : memref<256x4xf32, #tpu.memory_space<vmem>>[vector<16xi32>, vector<16xi32>], vector<16xf32>,
    %add3A_478 = arith.constant 208 : i32
    %add3A_479 = vector.broadcast %add3A_478 : i32 to vector<16xi32>
    %add3A_480 = arith.addi %iota3A, %add3A_479 : vector<16xi32>
    %broadcast_in_dim3A_481 = arith.constant 1 : i32
    %broadcast_in_dim3A_482 = vector.broadcast %broadcast_in_dim3A_481 : i32 to vector<16xi32>
    %gather3A_483 = tpu.vector_load_idx %arg5[%add3A_480, %broadcast_in_dim3A_482] : memref<256x4xf32, #tpu.memory_space<vmem>>[vector<16xi32>, vector<16xi32>], vector<16xf32>,
    %add3A_484 = arith.constant 208 : i32
    %add3A_485 = vector.broadcast %add3A_484 : i32 to vector<16xi32>
    %add3A_486 = arith.addi %iota3A, %add3A_485 : vector<16xi32>
    %broadcast_in_dim3A_487 = arith.constant 2 : i32
    %broadcast_in_dim3A_488 = vector.broadcast %broadcast_in_dim3A_487 : i32 to vector<16xi32>
    %gather3A_489 = tpu.vector_load_idx %arg5[%add3A_486, %broadcast_in_dim3A_488] : memref<256x4xf32, #tpu.memory_space<vmem>>[vector<16xi32>, vector<16xi32>], vector<16xf32>,
    %add3A_490 = arith.constant 208 : i32
    %add3A_491 = vector.broadcast %add3A_490 : i32 to vector<16xi32>
    %add3A_492 = arith.addi %iota3A, %add3A_491 : vector<16xi32>
    %broadcast_in_dim3A_493 = arith.constant 3 : i32
    %broadcast_in_dim3A_494 = vector.broadcast %broadcast_in_dim3A_493 : i32 to vector<16xi32>
    %gather3A_495 = tpu.vector_load_idx %arg5[%add3A_492, %broadcast_in_dim3A_494] : memref<256x4xf32, #tpu.memory_space<vmem>>[vector<16xi32>, vector<16xi32>], vector<16xf32>,
    %add3A_496 = arith.constant 224 : i32
    %add3A_497 = vector.broadcast %add3A_496 : i32 to vector<16xi32>
    %add3A_498 = arith.addi %iota3A, %add3A_497 : vector<16xi32>
    %broadcast_in_dim3A_499 = arith.constant 0 : i32
    %broadcast_in_dim3A_500 = vector.broadcast %broadcast_in_dim3A_499 : i32 to vector<16xi32>
    %gather3A_501 = tpu.vector_load_idx %arg5[%add3A_498, %broadcast_in_dim3A_500] : memref<256x4xf32, #tpu.memory_space<vmem>>[vector<16xi32>, vector<16xi32>], vector<16xf32>,
    %add3A_502 = arith.constant 224 : i32
    %add3A_503 = vector.broadcast %add3A_502 : i32 to vector<16xi32>
    %add3A_504 = arith.addi %iota3A, %add3A_503 : vector<16xi32>
    %broadcast_in_dim3A_505 = arith.constant 1 : i32
    %broadcast_in_dim3A_506 = vector.broadcast %broadcast_in_dim3A_505 : i32 to vector<16xi32>
    %gather3A_507 = tpu.vector_load_idx %arg5[%add3A_504, %broadcast_in_dim3A_506] : memref<256x4xf32, #tpu.memory_space<vmem>>[vector<16xi32>, vector<16xi32>], vector<16xf32>,
    %add3A_508 = arith.constant 224 : i32
    %add3A_509 = vector.broadcast %add3A_508 : i32 to vector<16xi32>
    %add3A_510 = arith.addi %iota3A, %add3A_509 : vector<16xi32>
    %broadcast_in_dim3A_511 = arith.constant 2 : i32
    %broadcast_in_dim3A_512 = vector.broadcast %broadcast_in_dim3A_511 : i32 to vector<16xi32>
    %gather3A_513 = tpu.vector_load_idx %arg5[%add3A_510, %broadcast_in_dim3A_512] : memref<256x4xf32, #tpu.memory_space<vmem>>[vector<16xi32>, vector<16xi32>], vector<16xf32>,
    %add3A_514 = arith.constant 224 : i32
    %add3A_515 = vector.broadcast %add3A_514 : i32 to vector<16xi32>
    %add3A_516 = arith.addi %iota3A, %add3A_515 : vector<16xi32>
    %broadcast_in_dim3A_517 = arith.constant 3 : i32
    %broadcast_in_dim3A_518 = vector.broadcast %broadcast_in_dim3A_517 : i32 to vector<16xi32>
    %gather3A_519 = tpu.vector_load_idx %arg5[%add3A_516, %broadcast_in_dim3A_518] : memref<256x4xf32, #tpu.memory_space<vmem>>[vector<16xi32>, vector<16xi32>], vector<16xf32>,
    %add3A_520 = arith.constant 240 : i32
    %add3A_521 = vector.broadcast %add3A_520 : i32 to vector<16xi32>
    %add3A_522 = arith.addi %iota3A, %add3A_521 : vector<16xi32>
    %broadcast_in_dim3A_523 = arith.constant 0 : i32
    %broadcast_in_dim3A_524 = vector.broadcast %broadcast_in_dim3A_523 : i32 to vector<16xi32>
    %gather3A_525 = tpu.vector_load_idx %arg5[%add3A_522, %broadcast_in_dim3A_524] : memref<256x4xf32, #tpu.memory_space<vmem>>[vector<16xi32>, vector<16xi32>], vector<16xf32>,
    %add3A_526 = arith.constant 240 : i32
    %add3A_527 = vector.broadcast %add3A_526 : i32 to vector<16xi32>
    %add3A_528 = arith.addi %iota3A, %add3A_527 : vector<16xi32>
    %broadcast_in_dim3A_529 = arith.constant 1 : i32
    %broadcast_in_dim3A_530 = vector.broadcast %broadcast_in_dim3A_529 : i32 to vector<16xi32>
    %gather3A_531 = tpu.vector_load_idx %arg5[%add3A_528, %broadcast_in_dim3A_530] : memref<256x4xf32, #tpu.memory_space<vmem>>[vector<16xi32>, vector<16xi32>], vector<16xf32>,
    %add3A_532 = arith.constant 240 : i32
    %add3A_533 = vector.broadcast %add3A_532 : i32 to vector<16xi32>
    %add3A_534 = arith.addi %iota3A, %add3A_533 : vector<16xi32>
    %broadcast_in_dim3A_535 = arith.constant 2 : i32
    %broadcast_in_dim3A_536 = vector.broadcast %broadcast_in_dim3A_535 : i32 to vector<16xi32>
    %gather3A_537 = tpu.vector_load_idx %arg5[%add3A_534, %broadcast_in_dim3A_536] : memref<256x4xf32, #tpu.memory_space<vmem>>[vector<16xi32>, vector<16xi32>], vector<16xf32>,
    %add3A_538 = arith.constant 240 : i32
    %add3A_539 = vector.broadcast %add3A_538 : i32 to vector<16xi32>
    %add3A_540 = arith.addi %iota3A, %add3A_539 : vector<16xi32>
    %broadcast_in_dim3A_541 = arith.constant 3 : i32
    %broadcast_in_dim3A_542 = vector.broadcast %broadcast_in_dim3A_541 : i32 to vector<16xi32>
    %gather3A_543 = tpu.vector_load_idx %arg5[%add3A_540, %broadcast_in_dim3A_542] : memref<256x4xf32, #tpu.memory_space<vmem>>[vector<16xi32>, vector<16xi32>], vector<16xf32>,
    %broadcast_in_dim3A_544 = arith.constant 1.000000e+30 : f32
    %broadcast_in_dim3A_545 = vector.broadcast %broadcast_in_dim3A_544 : f32 to vector<16xf32>
    %broadcast_in_dim3A_546 = arith.constant 1.000000e+30 : f32
    %broadcast_in_dim3A_547 = vector.broadcast %broadcast_in_dim3A_546 : f32 to vector<16xf32>
    %broadcast_in_dim3A_548 = arith.constant 1.000000e+30 : f32
    %broadcast_in_dim3A_549 = vector.broadcast %broadcast_in_dim3A_548 : f32 to vector<16xf32>
    %broadcast_in_dim3A_550 = arith.constant 1.000000e+30 : f32
    %broadcast_in_dim3A_551 = vector.broadcast %broadcast_in_dim3A_550 : f32 to vector<16xf32>
    %broadcast_in_dim3A_552 = arith.constant 1.000000e+30 : f32
    %broadcast_in_dim3A_553 = vector.broadcast %broadcast_in_dim3A_552 : f32 to vector<16xf32>
    %broadcast_in_dim3A_554 = arith.constant 1.000000e+30 : f32
    %broadcast_in_dim3A_555 = vector.broadcast %broadcast_in_dim3A_554 : f32 to vector<16xf32>
    %broadcast_in_dim3A_556 = arith.constant 1.000000e+30 : f32
    %broadcast_in_dim3A_557 = vector.broadcast %broadcast_in_dim3A_556 : f32 to vector<16xf32>
    %broadcast_in_dim3A_558 = arith.constant 1.000000e+30 : f32
    %broadcast_in_dim3A_559 = vector.broadcast %broadcast_in_dim3A_558 : f32 to vector<16xf32>
    %scan3A_560 = arith.constant 0 : i32
    %scan3A_561 = arith.constant 512 : i32
    %scan3A_562 = arith.addi %scan3A_560, %scan3A_561 : i32
    %scan3A_563 = arith.constant 1 : i32
    %scan3A_564:8 = scf.for %scan3A_672 = %scan3A_560 to %scan3A_562 step %scan3A_563 iter_args(%scan3A_673 = %broadcast_in_dim3A_545, %scan3A_674 = %broadcast_in_dim3A_547, %scan3A_675 = %broadcast_in_dim3A_549, %scan3A_676 = %broadcast_in_dim3A_551, %scan3A_677 = %broadcast_in_dim3A_553, %scan3A_678 = %broadcast_in_dim3A_555, %scan3A_679 = %broadcast_in_dim3A_557, %scan3A_680 = %broadcast_in_dim3A_559) -> (vector<16xf32>, vector<16xf32>, vector<16xf32>, vector<16xf32>, vector<16xf32>, vector<16xf32>, vector<16xf32>, vector<16xf32>)  : i32 {
      %add3A_681 = arith.constant 0 : i32
      %add3A_682 = arith.addi %scan3A_672, %add3A_681 : i32
      %broadcast_in_dim3A_683 = vector.broadcast %add3A_682 : i32 to vector<16xi32>
      %gather3A_684 = tpu.vector_load_idx %arg6[%broadcast_in_dim3A_683] : memref<2560xf32, #tpu.memory_space<vmem>>[vector<16xi32>], vector<16xf32>,
      %add3A_685 = arith.constant 512 : i32
      %add3A_686 = arith.addi %scan3A_672, %add3A_685 : i32
      %broadcast_in_dim3A_687 = vector.broadcast %add3A_686 : i32 to vector<16xi32>
      %gather3A_688 = tpu.vector_load_idx %arg6[%broadcast_in_dim3A_687] : memref<2560xf32, #tpu.memory_space<vmem>>[vector<16xi32>], vector<16xf32>,
      %add3A_689 = arith.constant 1024 : i32
      %add3A_690 = arith.addi %scan3A_672, %add3A_689 : i32
      %broadcast_in_dim3A_691 = vector.broadcast %add3A_690 : i32 to vector<16xi32>
      %gather3A_692 = tpu.vector_load_idx %arg6[%broadcast_in_dim3A_691] : memref<2560xf32, #tpu.memory_space<vmem>>[vector<16xi32>], vector<16xf32>,
      %add3A_693 = arith.constant 1536 : i32
      %add3A_694 = arith.addi %scan3A_672, %add3A_693 : i32
      %broadcast_in_dim3A_695 = vector.broadcast %add3A_694 : i32 to vector<16xi32>
      %gather3A_696 = tpu.vector_load_idx %arg6[%broadcast_in_dim3A_695] : memref<2560xf32, #tpu.memory_space<vmem>>[vector<16xi32>], vector<16xf32>,
      %add3A_697 = arith.constant 2048 : i32
      %add3A_698 = arith.addi %scan3A_672, %add3A_697 : i32
      %broadcast_in_dim3A_699 = vector.broadcast %add3A_698 : i32 to vector<16xi32>
      %gather3A_700 = tpu.vector_load_idx %arg6[%broadcast_in_dim3A_699] : memref<2560xf32, #tpu.memory_space<vmem>>[vector<16xi32>], vector<16xf32>,
      %min3A = arith.minimumf %gather3A_357, %gather3A_684 : vector<16xf32>
      %min3A_701 = arith.minimumf %gather3A_363, %gather3A_688 : vector<16xf32>
      %add3A_702 = arith.addf %min3A, %min3A_701 : vector<16xf32>
      %min3A_703 = arith.minimumf %gather3A_369, %gather3A_692 : vector<16xf32>
      %add3A_704 = arith.addf %add3A_702, %min3A_703 : vector<16xf32>
      %min3A_705 = arith.minimumf %gather3A_375, %gather3A_696 : vector<16xf32>
      %add3A_706 = arith.addf %add3A_704, %min3A_705 : vector<16xf32>
      %sub3A_707 = arith.subf %gather3A_700, %add3A_706 : vector<16xf32>
      %min3A_708 = arith.minimumf %scan3A_673, %sub3A_707 : vector<16xf32>
      %min3A_709 = arith.minimumf %gather3A_381, %gather3A_684 : vector<16xf32>
      %min3A_710 = arith.minimumf %gather3A_387, %gather3A_688 : vector<16xf32>
      %add3A_711 = arith.addf %min3A_709, %min3A_710 : vector<16xf32>
      %min3A_712 = arith.minimumf %gather3A_393, %gather3A_692 : vector<16xf32>
      %add3A_713 = arith.addf %add3A_711, %min3A_712 : vector<16xf32>
      %min3A_714 = arith.minimumf %gather3A_399, %gather3A_696 : vector<16xf32>
      %add3A_715 = arith.addf %add3A_713, %min3A_714 : vector<16xf32>
      %sub3A_716 = arith.subf %gather3A_700, %add3A_715 : vector<16xf32>
      %min3A_717 = arith.minimumf %scan3A_674, %sub3A_716 : vector<16xf32>
      %min3A_718 = arith.minimumf %gather3A_405, %gather3A_684 : vector<16xf32>
      %min3A_719 = arith.minimumf %gather3A_411, %gather3A_688 : vector<16xf32>
      %add3A_720 = arith.addf %min3A_718, %min3A_719 : vector<16xf32>
      %min3A_721 = arith.minimumf %gather3A_417, %gather3A_692 : vector<16xf32>
      %add3A_722 = arith.addf %add3A_720, %min3A_721 : vector<16xf32>
      %min3A_723 = arith.minimumf %gather3A_423, %gather3A_696 : vector<16xf32>
      %add3A_724 = arith.addf %add3A_722, %min3A_723 : vector<16xf32>
      %sub3A_725 = arith.subf %gather3A_700, %add3A_724 : vector<16xf32>
      %min3A_726 = arith.minimumf %scan3A_675, %sub3A_725 : vector<16xf32>
      %min3A_727 = arith.minimumf %gather3A_429, %gather3A_684 : vector<16xf32>
      %min3A_728 = arith.minimumf %gather3A_435, %gather3A_688 : vector<16xf32>
      %add3A_729 = arith.addf %min3A_727, %min3A_728 : vector<16xf32>
      %min3A_730 = arith.minimumf %gather3A_441, %gather3A_692 : vector<16xf32>
      %add3A_731 = arith.addf %add3A_729, %min3A_730 : vector<16xf32>
      %min3A_732 = arith.minimumf %gather3A_447, %gather3A_696 : vector<16xf32>
      %add3A_733 = arith.addf %add3A_731, %min3A_732 : vector<16xf32>
      %sub3A_734 = arith.subf %gather3A_700, %add3A_733 : vector<16xf32>
      %min3A_735 = arith.minimumf %scan3A_676, %sub3A_734 : vector<16xf32>
      %min3A_736 = arith.minimumf %gather3A_453, %gather3A_684 : vector<16xf32>
      %min3A_737 = arith.minimumf %gather3A_459, %gather3A_688 : vector<16xf32>
      %add3A_738 = arith.addf %min3A_736, %min3A_737 : vector<16xf32>
      %min3A_739 = arith.minimumf %gather3A_465, %gather3A_692 : vector<16xf32>
      %add3A_740 = arith.addf %add3A_738, %min3A_739 : vector<16xf32>
      %min3A_741 = arith.minimumf %gather3A_471, %gather3A_696 : vector<16xf32>
      %add3A_742 = arith.addf %add3A_740, %min3A_741 : vector<16xf32>
      %sub3A_743 = arith.subf %gather3A_700, %add3A_742 : vector<16xf32>
      %min3A_744 = arith.minimumf %scan3A_677, %sub3A_743 : vector<16xf32>
      %min3A_745 = arith.minimumf %gather3A_477, %gather3A_684 : vector<16xf32>
      %min3A_746 = arith.minimumf %gather3A_483, %gather3A_688 : vector<16xf32>
      %add3A_747 = arith.addf %min3A_745, %min3A_746 : vector<16xf32>
      %min3A_748 = arith.minimumf %gather3A_489, %gather3A_692 : vector<16xf32>
      %add3A_749 = arith.addf %add3A_747, %min3A_748 : vector<16xf32>
      %min3A_750 = arith.minimumf %gather3A_495, %gather3A_696 : vector<16xf32>
      %add3A_751 = arith.addf %add3A_749, %min3A_750 : vector<16xf32>
      %sub3A_752 = arith.subf %gather3A_700, %add3A_751 : vector<16xf32>
      %min3A_753 = arith.minimumf %scan3A_678, %sub3A_752 : vector<16xf32>
      %min3A_754 = arith.minimumf %gather3A_501, %gather3A_684 : vector<16xf32>
      %min3A_755 = arith.minimumf %gather3A_507, %gather3A_688 : vector<16xf32>
      %add3A_756 = arith.addf %min3A_754, %min3A_755 : vector<16xf32>
      %min3A_757 = arith.minimumf %gather3A_513, %gather3A_692 : vector<16xf32>
      %add3A_758 = arith.addf %add3A_756, %min3A_757 : vector<16xf32>
      %min3A_759 = arith.minimumf %gather3A_519, %gather3A_696 : vector<16xf32>
      %add3A_760 = arith.addf %add3A_758, %min3A_759 : vector<16xf32>
      %sub3A_761 = arith.subf %gather3A_700, %add3A_760 : vector<16xf32>
      %min3A_762 = arith.minimumf %scan3A_679, %sub3A_761 : vector<16xf32>
      %min3A_763 = arith.minimumf %gather3A_525, %gather3A_684 : vector<16xf32>
      %min3A_764 = arith.minimumf %gather3A_531, %gather3A_688 : vector<16xf32>
      %add3A_765 = arith.addf %min3A_763, %min3A_764 : vector<16xf32>
      %min3A_766 = arith.minimumf %gather3A_537, %gather3A_692 : vector<16xf32>
      %add3A_767 = arith.addf %add3A_765, %min3A_766 : vector<16xf32>
      %min3A_768 = arith.minimumf %gather3A_543, %gather3A_696 : vector<16xf32>
      %add3A_769 = arith.addf %add3A_767, %min3A_768 : vector<16xf32>
      %sub3A_770 = arith.subf %gather3A_700, %add3A_769 : vector<16xf32>
      %min3A_771 = arith.minimumf %scan3A_680, %sub3A_770 : vector<16xf32>
      scf.yield %min3A_708, %min3A_717, %min3A_726, %min3A_735, %min3A_744, %min3A_753, %min3A_762, %min3A_771 : vector<16xf32>, vector<16xf32>, vector<16xf32>, vector<16xf32>, vector<16xf32>, vector<16xf32>, vector<16xf32>, vector<16xf32>
    }
    %scan3A_565 = arith.constant 512 : i32
    %add3A_566 = arith.addf %gather3A_357, %gather3A_363 : vector<16xf32>
    %add3A_567 = arith.addf %add3A_566, %gather3A_369 : vector<16xf32>
    %add3A_568 = arith.addf %add3A_567, %gather3A_375 : vector<16xf32>
    %add3A_569 = arith.addf %add3A_568, %scan3A_564#0 : vector<16xf32>
    %add3A_570 = arith.addf %add3A_569, %scan3A_564#0 : vector<16xf32>
    %ge3A_571 = arith.constant 1.000000e+08 : f32
    %ge3A_572 = vector.broadcast %ge3A_571 : f32 to vector<16xf32>
    %ge3A_573 = arith.cmpf oge, %add3A_570, %ge3A_572 : vector<16xf32>
    %jit3A_574 = arith.constant 0.000000e+00 : f32
    %broadcast_in_dim3A_575 = vector.broadcast %jit3A_574 : f32 to vector<16xf32>
    %select_n3A_576 = arith.select %ge3A_573, %broadcast_in_dim3A_575, %add3A_570 : vector<16xi1>, vector<16xf32>
    %swap3A_577 = arith.constant 128 : index
    %swap3A_578 = tpu.vector_load %arg7[%swap3A_577] {strides = array<i32>} : memref<256xf32, #tpu.memory_space<vmem>>, vector<16xf32>,
    tpu.vector_store %arg7[%swap3A_577], %select_n3A_576 {strides = array<i32>} : memref<256xf32, #tpu.memory_space<vmem>>, vector<16xf32>,
    %add3A_579 = arith.addf %gather3A_381, %gather3A_387 : vector<16xf32>
    %add3A_580 = arith.addf %add3A_579, %gather3A_393 : vector<16xf32>
    %add3A_581 = arith.addf %add3A_580, %gather3A_399 : vector<16xf32>
    %add3A_582 = arith.addf %add3A_581, %scan3A_564#1 : vector<16xf32>
    %add3A_583 = arith.addf %add3A_582, %scan3A_564#1 : vector<16xf32>
    %ge3A_584 = arith.constant 1.000000e+08 : f32
    %ge3A_585 = vector.broadcast %ge3A_584 : f32 to vector<16xf32>
    %ge3A_586 = arith.cmpf oge, %add3A_583, %ge3A_585 : vector<16xf32>
    %jit3A_587 = arith.constant 0.000000e+00 : f32
    %broadcast_in_dim3A_588 = vector.broadcast %jit3A_587 : f32 to vector<16xf32>
    %select_n3A_589 = arith.select %ge3A_586, %broadcast_in_dim3A_588, %add3A_583 : vector<16xi1>, vector<16xf32>
    %swap3A_590 = arith.constant 144 : index
    %swap3A_591 = tpu.vector_load %arg7[%swap3A_590] {strides = array<i32>} : memref<256xf32, #tpu.memory_space<vmem>>, vector<16xf32>,
    tpu.vector_store %arg7[%swap3A_590], %select_n3A_589 {strides = array<i32>} : memref<256xf32, #tpu.memory_space<vmem>>, vector<16xf32>,
    %add3A_592 = arith.addf %gather3A_405, %gather3A_411 : vector<16xf32>
    %add3A_593 = arith.addf %add3A_592, %gather3A_417 : vector<16xf32>
    %add3A_594 = arith.addf %add3A_593, %gather3A_423 : vector<16xf32>
    %add3A_595 = arith.addf %add3A_594, %scan3A_564#2 : vector<16xf32>
    %add3A_596 = arith.addf %add3A_595, %scan3A_564#2 : vector<16xf32>
    %ge3A_597 = arith.constant 1.000000e+08 : f32
    %ge3A_598 = vector.broadcast %ge3A_597 : f32 to vector<16xf32>
    %ge3A_599 = arith.cmpf oge, %add3A_596, %ge3A_598 : vector<16xf32>
    %jit3A_600 = arith.constant 0.000000e+00 : f32
    %broadcast_in_dim3A_601 = vector.broadcast %jit3A_600 : f32 to vector<16xf32>
    %select_n3A_602 = arith.select %ge3A_599, %broadcast_in_dim3A_601, %add3A_596 : vector<16xi1>, vector<16xf32>
    %swap3A_603 = arith.constant 160 : index
    %swap3A_604 = tpu.vector_load %arg7[%swap3A_603] {strides = array<i32>} : memref<256xf32, #tpu.memory_space<vmem>>, vector<16xf32>,
    tpu.vector_store %arg7[%swap3A_603], %select_n3A_602 {strides = array<i32>} : memref<256xf32, #tpu.memory_space<vmem>>, vector<16xf32>,
    %add3A_605 = arith.addf %gather3A_429, %gather3A_435 : vector<16xf32>
    %add3A_606 = arith.addf %add3A_605, %gather3A_441 : vector<16xf32>
    %add3A_607 = arith.addf %add3A_606, %gather3A_447 : vector<16xf32>
    %add3A_608 = arith.addf %add3A_607, %scan3A_564#3 : vector<16xf32>
    %add3A_609 = arith.addf %add3A_608, %scan3A_564#3 : vector<16xf32>
    %ge3A_610 = arith.constant 1.000000e+08 : f32
    %ge3A_611 = vector.broadcast %ge3A_610 : f32 to vector<16xf32>
    %ge3A_612 = arith.cmpf oge, %add3A_609, %ge3A_611 : vector<16xf32>
    %jit3A_613 = arith.constant 0.000000e+00 : f32
    %broadcast_in_dim3A_614 = vector.broadcast %jit3A_613 : f32 to vector<16xf32>
    %select_n3A_615 = arith.select %ge3A_612, %broadcast_in_dim3A_614, %add3A_609 : vector<16xi1>, vector<16xf32>
    %swap3A_616 = arith.constant 176 : index
    %swap3A_617 = tpu.vector_load %arg7[%swap3A_616] {strides = array<i32>} : memref<256xf32, #tpu.memory_space<vmem>>, vector<16xf32>,
    tpu.vector_store %arg7[%swap3A_616], %select_n3A_615 {strides = array<i32>} : memref<256xf32, #tpu.memory_space<vmem>>, vector<16xf32>,
    %add3A_618 = arith.addf %gather3A_453, %gather3A_459 : vector<16xf32>
    %add3A_619 = arith.addf %add3A_618, %gather3A_465 : vector<16xf32>
    %add3A_620 = arith.addf %add3A_619, %gather3A_471 : vector<16xf32>
    %add3A_621 = arith.addf %add3A_620, %scan3A_564#4 : vector<16xf32>
    %add3A_622 = arith.addf %add3A_621, %scan3A_564#4 : vector<16xf32>
    %ge3A_623 = arith.constant 1.000000e+08 : f32
    %ge3A_624 = vector.broadcast %ge3A_623 : f32 to vector<16xf32>
    %ge3A_625 = arith.cmpf oge, %add3A_622, %ge3A_624 : vector<16xf32>
    %jit3A_626 = arith.constant 0.000000e+00 : f32
    %broadcast_in_dim3A_627 = vector.broadcast %jit3A_626 : f32 to vector<16xf32>
    %select_n3A_628 = arith.select %ge3A_625, %broadcast_in_dim3A_627, %add3A_622 : vector<16xi1>, vector<16xf32>
    %swap3A_629 = arith.constant 192 : index
    %swap3A_630 = tpu.vector_load %arg7[%swap3A_629] {strides = array<i32>} : memref<256xf32, #tpu.memory_space<vmem>>, vector<16xf32>,
    tpu.vector_store %arg7[%swap3A_629], %select_n3A_628 {strides = array<i32>} : memref<256xf32, #tpu.memory_space<vmem>>, vector<16xf32>,
    %add3A_631 = arith.addf %gather3A_477, %gather3A_483 : vector<16xf32>
    %add3A_632 = arith.addf %add3A_631, %gather3A_489 : vector<16xf32>
    %add3A_633 = arith.addf %add3A_632, %gather3A_495 : vector<16xf32>
    %add3A_634 = arith.addf %add3A_633, %scan3A_564#5 : vector<16xf32>
    %add3A_635 = arith.addf %add3A_634, %scan3A_564#5 : vector<16xf32>
    %ge3A_636 = arith.constant 1.000000e+08 : f32
    %ge3A_637 = vector.broadcast %ge3A_636 : f32 to vector<16xf32>
    %ge3A_638 = arith.cmpf oge, %add3A_635, %ge3A_637 : vector<16xf32>
    %jit3A_639 = arith.constant 0.000000e+00 : f32
    %broadcast_in_dim3A_640 = vector.broadcast %jit3A_639 : f32 to vector<16xf32>
    %select_n3A_641 = arith.select %ge3A_638, %broadcast_in_dim3A_640, %add3A_635 : vector<16xi1>, vector<16xf32>
    %swap3A_642 = arith.constant 208 : index
    %swap3A_643 = tpu.vector_load %arg7[%swap3A_642] {strides = array<i32>} : memref<256xf32, #tpu.memory_space<vmem>>, vector<16xf32>,
    tpu.vector_store %arg7[%swap3A_642], %select_n3A_641 {strides = array<i32>} : memref<256xf32, #tpu.memory_space<vmem>>, vector<16xf32>,
    %add3A_644 = arith.addf %gather3A_501, %gather3A_507 : vector<16xf32>
    %add3A_645 = arith.addf %add3A_644, %gather3A_513 : vector<16xf32>
    %add3A_646 = arith.addf %add3A_645, %gather3A_519 : vector<16xf32>
    %add3A_647 = arith.addf %add3A_646, %scan3A_564#6 : vector<16xf32>
    %add3A_648 = arith.addf %add3A_647, %scan3A_564#6 : vector<16xf32>
    %ge3A_649 = arith.constant 1.000000e+08 : f32
    %ge3A_650 = vector.broadcast %ge3A_649 : f32 to vector<16xf32>
    %ge3A_651 = arith.cmpf oge, %add3A_648, %ge3A_650 : vector<16xf32>
    %jit3A_652 = arith.constant 0.000000e+00 : f32
    %broadcast_in_dim3A_653 = vector.broadcast %jit3A_652 : f32 to vector<16xf32>
    %select_n3A_654 = arith.select %ge3A_651, %broadcast_in_dim3A_653, %add3A_648 : vector<16xi1>, vector<16xf32>
    %swap3A_655 = arith.constant 224 : index
    %swap3A_656 = tpu.vector_load %arg7[%swap3A_655] {strides = array<i32>} : memref<256xf32, #tpu.memory_space<vmem>>, vector<16xf32>,
    tpu.vector_store %arg7[%swap3A_655], %select_n3A_654 {strides = array<i32>} : memref<256xf32, #tpu.memory_space<vmem>>, vector<16xf32>,
    %add3A_657 = arith.addf %gather3A_525, %gather3A_531 : vector<16xf32>
    %add3A_658 = arith.addf %add3A_657, %gather3A_537 : vector<16xf32>
    %add3A_659 = arith.addf %add3A_658, %gather3A_543 : vector<16xf32>
    %add3A_660 = arith.addf %add3A_659, %scan3A_564#7 : vector<16xf32>
    %add3A_661 = arith.addf %add3A_660, %scan3A_564#7 : vector<16xf32>
    %ge3A_662 = arith.constant 1.000000e+08 : f32
    %ge3A_663 = vector.broadcast %ge3A_662 : f32 to vector<16xf32>
    %ge3A_664 = arith.cmpf oge, %add3A_661, %ge3A_663 : vector<16xf32>
    %jit3A_665 = arith.constant 0.000000e+00 : f32
    %broadcast_in_dim3A_666 = vector.broadcast %jit3A_665 : f32 to vector<16xf32>
    %select_n3A_667 = arith.select %ge3A_664, %broadcast_in_dim3A_666, %add3A_661 : vector<16xi1>, vector<16xf32>
    %swap3A_668 = arith.constant 240 : index
    %swap3A_669 = tpu.vector_load %arg7[%swap3A_668] {strides = array<i32>} : memref<256xf32, #tpu.memory_space<vmem>>, vector<16xf32>,
    tpu.vector_store %arg7[%swap3A_668], %select_n3A_667 {strides = array<i32>} : memref<256xf32, #tpu.memory_space<vmem>>, vector<16xf32>,
    %mul3A_670 = arith.constant 256 : i32
    %mul3A_671 = arith.muli %add3A, %mul3A_670 : i32
    "tpu.region"() ({
      %run_scoped3A = tpu.sem_alloc : memref<!tpu.dma_semaphore, #tpu.memory_space<semaphore_mem>>
      %dma_start3A = tpu.memref_slice %arg4[%mul3A_671] : memref<8192xf32, #tpu.memory_space<hbm>> -> memref<256xf32, #tpu.memory_space<hbm>>
      %dma_start3A_672 = tpu.memref_slice %arg4[%mul3A_671] : memref<8192xf32, #tpu.memory_space<hbm>> -> memref<256xf32, #tpu.memory_space<hbm>>
      tpu.enqueue_dma source(%arg7 : memref<256xf32, #tpu.memory_space<vmem>>) target(%dma_start3A_672 : memref<256xf32, #tpu.memory_space<hbm>>) target_semaphore(%run_scoped3A : memref<!tpu.dma_semaphore, #tpu.memory_space<semaphore_mem>>)
      %dma_wait3A = tpu.memref_slice %arg4[%mul3A_671] : memref<8192xf32, #tpu.memory_space<hbm>> -> memref<256xf32, #tpu.memory_space<hbm>>
      %dma_wait3A_673 = tpu.memref_slice %arg4[%mul3A_671] : memref<8192xf32, #tpu.memory_space<hbm>> -> memref<256xf32, #tpu.memory_space<hbm>>
      tpu.wait_dma2 semaphore(%run_scoped3A : memref<!tpu.dma_semaphore, #tpu.memory_space<semaphore_mem>>) src(%arg7 : memref<256xf32, #tpu.memory_space<vmem>>) dst(%dma_wait3A_673 : memref<256xf32, #tpu.memory_space<hbm>>)
      tpu.yield
    }) : () -> ()
    return
  }
}

module attributes {stable_mosaic.version = 14 : i64} {
  func.func @_tc_body(%arg0: i32, %arg1: i32, %arg2: memref<1x512x4xf32, #tpu.memory_space<vmem>>, %arg3: memref<1x4x512xf32, #tpu.memory_space<vmem>>, %arg4: memref<1x1x512xf32, #tpu.memory_space<vmem>>) attributes {dimension_semantics = [#tpu.dimension_semantics<arbitrary>, #tpu.dimension_semantics<arbitrary>], iteration_bounds = array<i64: 8, 2>, scalar_prefetch = 0 : i64, scratch_operands = 0 : i64, tpu.core_type = #tpu.core_type<tc>, window_params = [{transform_indices = @transform_0, window_bounds = array<i64: 1, 512, 4>}, {transform_indices = @transform_1, window_bounds = array<i64: 1, 4, 512>}, {transform_indices = @transform_2, window_bounds = array<i64: 1, 1, 512>}]} {
    %get3A = arith.constant 0 : index
    %get3A_0 = arith.constant 0 : index
    %get3A_1 = arith.constant 0 : index
    %get3A_2 = vector.load %arg2[%get3A, %get3A_0, %get3A_1] : memref<1x512x4xf32, #tpu.memory_space<vmem>>, vector<1x512x4xf32>
    %get3A_3 = vector.shape_cast %get3A_2 : vector<1x512x4xf32> to vector<512x4xf32>
    %get3A_4 = arith.constant 0 : index
    %get3A_5 = arith.constant 0 : index
    %get3A_6 = arith.constant 0 : index
    %get3A_7 = vector.load %arg3[%get3A_4, %get3A_5, %get3A_6] : memref<1x4x512xf32, #tpu.memory_space<vmem>>, vector<1x4x512xf32>
    %get3A_8 = vector.shape_cast %get3A_7 : vector<1x4x512xf32> to vector<4x512xf32>
    %slice3A = vector.extract_strided_slice %get3A_8 {offsets = [0, 0], sizes = [1, 512], strides = [1, 1]} : vector<4x512xf32> to vector<1x512xf32>
    %squeeze3A = vector.shape_cast %slice3A : vector<1x512xf32> to vector<512xf32>
    %slice3A_9 = vector.extract_strided_slice %get3A_8 {offsets = [1, 0], sizes = [1, 512], strides = [1, 1]} : vector<4x512xf32> to vector<1x512xf32>
    %squeeze3A_10 = vector.shape_cast %slice3A_9 : vector<1x512xf32> to vector<512xf32>
    %add3A = arith.addf %squeeze3A, %squeeze3A_10 : vector<512xf32>
    %slice3A_11 = vector.extract_strided_slice %get3A_8 {offsets = [2, 0], sizes = [1, 512], strides = [1, 1]} : vector<4x512xf32> to vector<1x512xf32>
    %squeeze3A_12 = vector.shape_cast %slice3A_11 : vector<1x512xf32> to vector<512xf32>
    %slice3A_13 = vector.extract_strided_slice %get3A_8 {offsets = [3, 0], sizes = [1, 512], strides = [1, 1]} : vector<4x512xf32> to vector<1x512xf32>
    %squeeze3A_14 = vector.shape_cast %slice3A_13 : vector<1x512xf32> to vector<512xf32>
    %add3A_15 = arith.addf %squeeze3A_12, %squeeze3A_14 : vector<512xf32>
    %add3A_16 = arith.addf %add3A, %add3A_15 : vector<512xf32>
    %mul3A = arith.constant 5.000000e-01 : f32
    %mul3A_17 = vector.broadcast %mul3A : f32 to vector<512xf32>
    %mul3A_18 = arith.mulf %add3A_16, %mul3A_17 : vector<512xf32>
    %slice3A_19 = vector.extract_strided_slice %get3A_3 {offsets = [0, 0], sizes = [512, 1], strides = [1, 1]} : vector<512x4xf32> to vector<512x1xf32>
    %squeeze3A_20 = vector.shape_cast %slice3A_19 : vector<512x1xf32> to vector<512xf32>
    %slice3A_21 = vector.extract_strided_slice %get3A_3 {offsets = [0, 1], sizes = [512, 1], strides = [1, 1]} : vector<512x4xf32> to vector<512x1xf32>
    %squeeze3A_22 = vector.shape_cast %slice3A_21 : vector<512x1xf32> to vector<512xf32>
    %add3A_23 = arith.addf %squeeze3A_20, %squeeze3A_22 : vector<512xf32>
    %slice3A_24 = vector.extract_strided_slice %get3A_3 {offsets = [0, 2], sizes = [512, 1], strides = [1, 1]} : vector<512x4xf32> to vector<512x1xf32>
    %squeeze3A_25 = vector.shape_cast %slice3A_24 : vector<512x1xf32> to vector<512xf32>
    %slice3A_26 = vector.extract_strided_slice %get3A_3 {offsets = [0, 3], sizes = [512, 1], strides = [1, 1]} : vector<512x4xf32> to vector<512x1xf32>
    %squeeze3A_27 = vector.shape_cast %slice3A_26 : vector<512x1xf32> to vector<512xf32>
    %add3A_28 = arith.addf %squeeze3A_25, %squeeze3A_27 : vector<512xf32>
    %add3A_29 = arith.addf %add3A_23, %add3A_28 : vector<512xf32>
    %slice3A_30 = vector.extract_strided_slice %get3A_3 {offsets = [0, 0], sizes = [512, 1], strides = [1, 1]} : vector<512x4xf32> to vector<512x1xf32>
    %broadcast_in_dim3A = vector.shape_cast %slice3A_30 : vector<512x1xf32> to vector<512x1xf32>
    %broadcast_in_dim3A_31 = vector.broadcast %broadcast_in_dim3A : vector<512x1xf32> to vector<512x128xf32>
    %slice3A_32 = vector.extract_strided_slice %get3A_3 {offsets = [0, 1], sizes = [512, 1], strides = [1, 1]} : vector<512x4xf32> to vector<512x1xf32>
    %broadcast_in_dim3A_33 = vector.shape_cast %slice3A_32 : vector<512x1xf32> to vector<512x1xf32>
    %broadcast_in_dim3A_34 = vector.broadcast %broadcast_in_dim3A_33 : vector<512x1xf32> to vector<512x128xf32>
    %slice3A_35 = vector.extract_strided_slice %get3A_3 {offsets = [0, 2], sizes = [512, 1], strides = [1, 1]} : vector<512x4xf32> to vector<512x1xf32>
    %broadcast_in_dim3A_36 = vector.shape_cast %slice3A_35 : vector<512x1xf32> to vector<512x1xf32>
    %broadcast_in_dim3A_37 = vector.broadcast %broadcast_in_dim3A_36 : vector<512x1xf32> to vector<512x128xf32>
    %slice3A_38 = vector.extract_strided_slice %get3A_3 {offsets = [0, 3], sizes = [512, 1], strides = [1, 1]} : vector<512x4xf32> to vector<512x1xf32>
    %broadcast_in_dim3A_39 = vector.shape_cast %slice3A_38 : vector<512x1xf32> to vector<512x1xf32>
    %broadcast_in_dim3A_40 = vector.broadcast %broadcast_in_dim3A_39 : vector<512x1xf32> to vector<512x128xf32>
    %broadcast_in_dim3A_41 = arith.constant 1.000000e+30 : f32
    %broadcast_in_dim3A_42 = vector.broadcast %broadcast_in_dim3A_41 : f32 to vector<512x128xf32>
    %slice3A_43 = vector.extract_strided_slice %get3A_8 {offsets = [0, 0], sizes = [1, 128], strides = [1, 1]} : vector<4x512xf32> to vector<1x128xf32>
    %squeeze3A_44 = vector.shape_cast %slice3A_43 : vector<1x128xf32> to vector<128xf32>
    %broadcast_in_dim3A_45 = vector.shape_cast %squeeze3A_44 : vector<128xf32> to vector<1x128xf32>
    %min3A = vector.broadcast %broadcast_in_dim3A_45 : vector<1x128xf32> to vector<512x128xf32>
    %min3A_46 = arith.minimumf %broadcast_in_dim3A_31, %min3A : vector<512x128xf32>
    %slice3A_47 = vector.extract_strided_slice %get3A_8 {offsets = [1, 0], sizes = [1, 128], strides = [1, 1]} : vector<4x512xf32> to vector<1x128xf32>
    %squeeze3A_48 = vector.shape_cast %slice3A_47 : vector<1x128xf32> to vector<128xf32>
    %broadcast_in_dim3A_49 = vector.shape_cast %squeeze3A_48 : vector<128xf32> to vector<1x128xf32>
    %min3A_50 = vector.broadcast %broadcast_in_dim3A_49 : vector<1x128xf32> to vector<512x128xf32>
    %min3A_51 = arith.minimumf %broadcast_in_dim3A_34, %min3A_50 : vector<512x128xf32>
    %add3A_52 = arith.addf %min3A_46, %min3A_51 : vector<512x128xf32>
    %slice3A_53 = vector.extract_strided_slice %get3A_8 {offsets = [2, 0], sizes = [1, 128], strides = [1, 1]} : vector<4x512xf32> to vector<1x128xf32>
    %squeeze3A_54 = vector.shape_cast %slice3A_53 : vector<1x128xf32> to vector<128xf32>
    %broadcast_in_dim3A_55 = vector.shape_cast %squeeze3A_54 : vector<128xf32> to vector<1x128xf32>
    %min3A_56 = vector.broadcast %broadcast_in_dim3A_55 : vector<1x128xf32> to vector<512x128xf32>
    %min3A_57 = arith.minimumf %broadcast_in_dim3A_37, %min3A_56 : vector<512x128xf32>
    %add3A_58 = arith.addf %add3A_52, %min3A_57 : vector<512x128xf32>
    %slice3A_59 = vector.extract_strided_slice %get3A_8 {offsets = [3, 0], sizes = [1, 128], strides = [1, 1]} : vector<4x512xf32> to vector<1x128xf32>
    %squeeze3A_60 = vector.shape_cast %slice3A_59 : vector<1x128xf32> to vector<128xf32>
    %broadcast_in_dim3A_61 = vector.shape_cast %squeeze3A_60 : vector<128xf32> to vector<1x128xf32>
    %min3A_62 = vector.broadcast %broadcast_in_dim3A_61 : vector<1x128xf32> to vector<512x128xf32>
    %min3A_63 = arith.minimumf %broadcast_in_dim3A_40, %min3A_62 : vector<512x128xf32>
    %add3A_64 = arith.addf %add3A_58, %min3A_63 : vector<512x128xf32>
    %slice3A_65 = vector.extract_strided_slice %mul3A_18 {offsets = [0], sizes = [128], strides = [1]} : vector<512xf32> to vector<128xf32>
    %broadcast_in_dim3A_66 = vector.shape_cast %slice3A_65 : vector<128xf32> to vector<1x128xf32>
    %sub3A = vector.broadcast %broadcast_in_dim3A_66 : vector<1x128xf32> to vector<512x128xf32>
    %sub3A_67 = arith.subf %sub3A, %add3A_64 : vector<512x128xf32>
    %min3A_68 = arith.minimumf %broadcast_in_dim3A_42, %sub3A_67 : vector<512x128xf32>
    %slice3A_69 = vector.extract_strided_slice %get3A_8 {offsets = [0, 128], sizes = [1, 128], strides = [1, 1]} : vector<4x512xf32> to vector<1x128xf32>
    %squeeze3A_70 = vector.shape_cast %slice3A_69 : vector<1x128xf32> to vector<128xf32>
    %broadcast_in_dim3A_71 = vector.shape_cast %squeeze3A_70 : vector<128xf32> to vector<1x128xf32>
    %min3A_72 = vector.broadcast %broadcast_in_dim3A_71 : vector<1x128xf32> to vector<512x128xf32>
    %min3A_73 = arith.minimumf %broadcast_in_dim3A_31, %min3A_72 : vector<512x128xf32>
    %slice3A_74 = vector.extract_strided_slice %get3A_8 {offsets = [1, 128], sizes = [1, 128], strides = [1, 1]} : vector<4x512xf32> to vector<1x128xf32>
    %squeeze3A_75 = vector.shape_cast %slice3A_74 : vector<1x128xf32> to vector<128xf32>
    %broadcast_in_dim3A_76 = vector.shape_cast %squeeze3A_75 : vector<128xf32> to vector<1x128xf32>
    %min3A_77 = vector.broadcast %broadcast_in_dim3A_76 : vector<1x128xf32> to vector<512x128xf32>
    %min3A_78 = arith.minimumf %broadcast_in_dim3A_34, %min3A_77 : vector<512x128xf32>
    %add3A_79 = arith.addf %min3A_73, %min3A_78 : vector<512x128xf32>
    %slice3A_80 = vector.extract_strided_slice %get3A_8 {offsets = [2, 128], sizes = [1, 128], strides = [1, 1]} : vector<4x512xf32> to vector<1x128xf32>
    %squeeze3A_81 = vector.shape_cast %slice3A_80 : vector<1x128xf32> to vector<128xf32>
    %broadcast_in_dim3A_82 = vector.shape_cast %squeeze3A_81 : vector<128xf32> to vector<1x128xf32>
    %min3A_83 = vector.broadcast %broadcast_in_dim3A_82 : vector<1x128xf32> to vector<512x128xf32>
    %min3A_84 = arith.minimumf %broadcast_in_dim3A_37, %min3A_83 : vector<512x128xf32>
    %add3A_85 = arith.addf %add3A_79, %min3A_84 : vector<512x128xf32>
    %slice3A_86 = vector.extract_strided_slice %get3A_8 {offsets = [3, 128], sizes = [1, 128], strides = [1, 1]} : vector<4x512xf32> to vector<1x128xf32>
    %squeeze3A_87 = vector.shape_cast %slice3A_86 : vector<1x128xf32> to vector<128xf32>
    %broadcast_in_dim3A_88 = vector.shape_cast %squeeze3A_87 : vector<128xf32> to vector<1x128xf32>
    %min3A_89 = vector.broadcast %broadcast_in_dim3A_88 : vector<1x128xf32> to vector<512x128xf32>
    %min3A_90 = arith.minimumf %broadcast_in_dim3A_40, %min3A_89 : vector<512x128xf32>
    %add3A_91 = arith.addf %add3A_85, %min3A_90 : vector<512x128xf32>
    %slice3A_92 = vector.extract_strided_slice %mul3A_18 {offsets = [128], sizes = [128], strides = [1]} : vector<512xf32> to vector<128xf32>
    %broadcast_in_dim3A_93 = vector.shape_cast %slice3A_92 : vector<128xf32> to vector<1x128xf32>
    %sub3A_94 = vector.broadcast %broadcast_in_dim3A_93 : vector<1x128xf32> to vector<512x128xf32>
    %sub3A_95 = arith.subf %sub3A_94, %add3A_91 : vector<512x128xf32>
    %min3A_96 = arith.minimumf %min3A_68, %sub3A_95 : vector<512x128xf32>
    %slice3A_97 = vector.extract_strided_slice %get3A_8 {offsets = [0, 256], sizes = [1, 128], strides = [1, 1]} : vector<4x512xf32> to vector<1x128xf32>
    %squeeze3A_98 = vector.shape_cast %slice3A_97 : vector<1x128xf32> to vector<128xf32>
    %broadcast_in_dim3A_99 = vector.shape_cast %squeeze3A_98 : vector<128xf32> to vector<1x128xf32>
    %min3A_100 = vector.broadcast %broadcast_in_dim3A_99 : vector<1x128xf32> to vector<512x128xf32>
    %min3A_101 = arith.minimumf %broadcast_in_dim3A_31, %min3A_100 : vector<512x128xf32>
    %slice3A_102 = vector.extract_strided_slice %get3A_8 {offsets = [1, 256], sizes = [1, 128], strides = [1, 1]} : vector<4x512xf32> to vector<1x128xf32>
    %squeeze3A_103 = vector.shape_cast %slice3A_102 : vector<1x128xf32> to vector<128xf32>
    %broadcast_in_dim3A_104 = vector.shape_cast %squeeze3A_103 : vector<128xf32> to vector<1x128xf32>
    %min3A_105 = vector.broadcast %broadcast_in_dim3A_104 : vector<1x128xf32> to vector<512x128xf32>
    %min3A_106 = arith.minimumf %broadcast_in_dim3A_34, %min3A_105 : vector<512x128xf32>
    %add3A_107 = arith.addf %min3A_101, %min3A_106 : vector<512x128xf32>
    %slice3A_108 = vector.extract_strided_slice %get3A_8 {offsets = [2, 256], sizes = [1, 128], strides = [1, 1]} : vector<4x512xf32> to vector<1x128xf32>
    %squeeze3A_109 = vector.shape_cast %slice3A_108 : vector<1x128xf32> to vector<128xf32>
    %broadcast_in_dim3A_110 = vector.shape_cast %squeeze3A_109 : vector<128xf32> to vector<1x128xf32>
    %min3A_111 = vector.broadcast %broadcast_in_dim3A_110 : vector<1x128xf32> to vector<512x128xf32>
    %min3A_112 = arith.minimumf %broadcast_in_dim3A_37, %min3A_111 : vector<512x128xf32>
    %add3A_113 = arith.addf %add3A_107, %min3A_112 : vector<512x128xf32>
    %slice3A_114 = vector.extract_strided_slice %get3A_8 {offsets = [3, 256], sizes = [1, 128], strides = [1, 1]} : vector<4x512xf32> to vector<1x128xf32>
    %squeeze3A_115 = vector.shape_cast %slice3A_114 : vector<1x128xf32> to vector<128xf32>
    %broadcast_in_dim3A_116 = vector.shape_cast %squeeze3A_115 : vector<128xf32> to vector<1x128xf32>
    %min3A_117 = vector.broadcast %broadcast_in_dim3A_116 : vector<1x128xf32> to vector<512x128xf32>
    %min3A_118 = arith.minimumf %broadcast_in_dim3A_40, %min3A_117 : vector<512x128xf32>
    %add3A_119 = arith.addf %add3A_113, %min3A_118 : vector<512x128xf32>
    %slice3A_120 = vector.extract_strided_slice %mul3A_18 {offsets = [256], sizes = [128], strides = [1]} : vector<512xf32> to vector<128xf32>
    %broadcast_in_dim3A_121 = vector.shape_cast %slice3A_120 : vector<128xf32> to vector<1x128xf32>
    %sub3A_122 = vector.broadcast %broadcast_in_dim3A_121 : vector<1x128xf32> to vector<512x128xf32>
    %sub3A_123 = arith.subf %sub3A_122, %add3A_119 : vector<512x128xf32>
    %min3A_124 = arith.minimumf %min3A_96, %sub3A_123 : vector<512x128xf32>
    %slice3A_125 = vector.extract_strided_slice %get3A_8 {offsets = [0, 384], sizes = [1, 128], strides = [1, 1]} : vector<4x512xf32> to vector<1x128xf32>
    %squeeze3A_126 = vector.shape_cast %slice3A_125 : vector<1x128xf32> to vector<128xf32>
    %broadcast_in_dim3A_127 = vector.shape_cast %squeeze3A_126 : vector<128xf32> to vector<1x128xf32>
    %min3A_128 = vector.broadcast %broadcast_in_dim3A_127 : vector<1x128xf32> to vector<512x128xf32>
    %min3A_129 = arith.minimumf %broadcast_in_dim3A_31, %min3A_128 : vector<512x128xf32>
    %slice3A_130 = vector.extract_strided_slice %get3A_8 {offsets = [1, 384], sizes = [1, 128], strides = [1, 1]} : vector<4x512xf32> to vector<1x128xf32>
    %squeeze3A_131 = vector.shape_cast %slice3A_130 : vector<1x128xf32> to vector<128xf32>
    %broadcast_in_dim3A_132 = vector.shape_cast %squeeze3A_131 : vector<128xf32> to vector<1x128xf32>
    %min3A_133 = vector.broadcast %broadcast_in_dim3A_132 : vector<1x128xf32> to vector<512x128xf32>
    %min3A_134 = arith.minimumf %broadcast_in_dim3A_34, %min3A_133 : vector<512x128xf32>
    %add3A_135 = arith.addf %min3A_129, %min3A_134 : vector<512x128xf32>
    %slice3A_136 = vector.extract_strided_slice %get3A_8 {offsets = [2, 384], sizes = [1, 128], strides = [1, 1]} : vector<4x512xf32> to vector<1x128xf32>
    %squeeze3A_137 = vector.shape_cast %slice3A_136 : vector<1x128xf32> to vector<128xf32>
    %broadcast_in_dim3A_138 = vector.shape_cast %squeeze3A_137 : vector<128xf32> to vector<1x128xf32>
    %min3A_139 = vector.broadcast %broadcast_in_dim3A_138 : vector<1x128xf32> to vector<512x128xf32>
    %min3A_140 = arith.minimumf %broadcast_in_dim3A_37, %min3A_139 : vector<512x128xf32>
    %add3A_141 = arith.addf %add3A_135, %min3A_140 : vector<512x128xf32>
    %slice3A_142 = vector.extract_strided_slice %get3A_8 {offsets = [3, 384], sizes = [1, 128], strides = [1, 1]} : vector<4x512xf32> to vector<1x128xf32>
    %squeeze3A_143 = vector.shape_cast %slice3A_142 : vector<1x128xf32> to vector<128xf32>
    %broadcast_in_dim3A_144 = vector.shape_cast %squeeze3A_143 : vector<128xf32> to vector<1x128xf32>
    %min3A_145 = vector.broadcast %broadcast_in_dim3A_144 : vector<1x128xf32> to vector<512x128xf32>
    %min3A_146 = arith.minimumf %broadcast_in_dim3A_40, %min3A_145 : vector<512x128xf32>
    %add3A_147 = arith.addf %add3A_141, %min3A_146 : vector<512x128xf32>
    %slice3A_148 = vector.extract_strided_slice %mul3A_18 {offsets = [384], sizes = [128], strides = [1]} : vector<512xf32> to vector<128xf32>
    %broadcast_in_dim3A_149 = vector.shape_cast %slice3A_148 : vector<128xf32> to vector<1x128xf32>
    %sub3A_150 = vector.broadcast %broadcast_in_dim3A_149 : vector<1x128xf32> to vector<512x128xf32>
    %sub3A_151 = arith.subf %sub3A_150, %add3A_147 : vector<512x128xf32>
    %min3A_152 = arith.minimumf %min3A_124, %sub3A_151 : vector<512x128xf32>
    %reduce_min3A = arith.constant dense<0x7F800000> : vector<512xf32>
    %reduce_min3A_153 = vector.multi_reduction <minimumf>, %min3A_152, %reduce_min3A [1] : vector<512x128xf32> to vector<512xf32>
    %add3A_154 = arith.addf %reduce_min3A_153, %reduce_min3A_153 : vector<512xf32>
    %add3A_155 = arith.addf %add3A_29, %add3A_154 : vector<512xf32>
    %ge3A = arith.constant 1.000000e+08 : f32
    %ge3A_156 = vector.broadcast %ge3A : f32 to vector<512xf32>
    %ge3A_157 = arith.cmpf oge, %add3A_155, %ge3A_156 : vector<512xf32>
    %jit3A = arith.constant 0.000000e+00 : f32
    %broadcast_in_dim3A_158 = vector.broadcast %jit3A : f32 to vector<512xf32>
    %select_n3A = arith.select %ge3A_157, %broadcast_in_dim3A_158, %add3A_155 : vector<512xi1>, vector<512xf32>
    %swap3A = arith.constant 0 : index
    %swap3A_159 = arith.constant 0 : index
    %swap3A_160 = arith.constant 0 : index
    %swap3A_161 = vector.load %arg4[%swap3A, %swap3A_159, %swap3A_160] : memref<1x1x512xf32, #tpu.memory_space<vmem>>, vector<1x1x512xf32>
    %swap3A_162 = vector.shape_cast %swap3A_161 : vector<1x1x512xf32> to vector<512xf32>
    %swap3A_163 = vector.shape_cast %select_n3A : vector<512xf32> to vector<1x1x512xf32>
    tpu.vector_store %arg4[%swap3A, %swap3A_159, %swap3A_160], %swap3A_163 {strides = array<i32>} : memref<1x1x512xf32, #tpu.memory_space<vmem>>, vector<1x1x512xf32>,
    return
  }
  func.func @transform_0(%arg0: i32, %arg1: i32) -> (i32, i32, i32) {
    %add3A = arith.constant 2 : i32
    %add3A_0 = arith.addi %arg1, %add3A : i32
    %c0_i32 = arith.constant 0 : i32
    %c0_i32_1 = arith.constant 0 : i32
    return %arg0, %add3A_0, %c0_i32 : i32, i32, i32
  }
  func.func @transform_1(%arg0: i32, %arg1: i32) -> (i32, i32, i32) {
    %c0_i32 = arith.constant 0 : i32
    %c0_i32_0 = arith.constant 0 : i32
    %c0_i32_1 = arith.constant 0 : i32
    return %arg0, %c0_i32, %c0_i32_0 : i32, i32, i32
  }
  func.func @transform_2(%arg0: i32, %arg1: i32) -> (i32, i32, i32) {
    %mul3A = arith.constant 2 : i32
    %mul3A_0 = arith.muli %arg0, %mul3A : i32
    %add3A = arith.addi %mul3A_0, %arg1 : i32
    %c0_i32 = arith.constant 0 : i32
    %c0_i32_1 = arith.constant 0 : i32
    %c0_i32_2 = arith.constant 0 : i32
    return %add3A, %c0_i32, %c0_i32_1 : i32, i32, i32
  }
}

</mosaic_0001>

<sc_bundles>
// kernel: kernel.4.cloned.1.call-start
scs
__scs_entry_jumppad:
0x0: {  	(pc) =	sbr.rel $0x88, $3  }
0x1: {  	(tag) =	ssettag $0x0;
	lr =	simm.s32 $0x1  }
0x2: {  	[smem:$0x3F9E] =	sst lr;
	_ =	strace $0xD0000000  }
0x3: {  	_ = 	snop  }
0x4: {  	_ = 	snop  }
0x5: {  	_ = 	snop  }
0x6: {  	_ = 	snop  }
0x7: {  	_ = 	snop  }
__scs_overlays_trampoline_lowered:
0x8: {  	[smem:$0x3FAD] =	sst s0  }
0x9: {  	[smem:$0x3FAE] =	sst s1  }
0xa: {  	[smem:$0x3FAF] =	sst s2  }
0xb: {  	[smem:$0x3FB0] =	sst s3  }
0xc: {  	[smem:$0x3FB1] =	sst s4  }
0xd: {  	[smem:$0x3FB2] =	sst s5  }
0xe: {  	[smem:$0x3FB3] =	sst s6  }
0xf: {  	[smem:$0x3FB4] =	sst s7  }
0x10: {  	[smem:$0x3FB5] =	sst s8  }
0x11: {  	[smem:$0x3FB6] =	sst s9;
	s0 =	simm.s32 @!p0 $0x0  }
0x12: {  	s1 =	sld [smem:$0x3F9C];
	s0 =	simm.s32 @p0 $0x1  }
0x13: {  	[smem:$0x3FB7] =	sst s0;
	s0 =	simm.s32 @!p1 $0x0  }
0x14: {  	s2 =	sld [smem:$0x3F9B];
	s0 =	simm.s32 @p1 $0x1  }
0x15: {  	[smem:$0x3FB8] =	sst s0;
	s0 =	simm.s32 @!p2 $0x0  }
0x16: {  	s3 =	sld [smem:$0x3FDB];
	s0 =	simm.s32 @p2 $0x1  }
0x17: {  	s4 =	simm.s32 $0x1BF5;
	[smem:$0x3FBA] =	sst s0  }
0x18: {  	s0 =	sld [smem:$0x3F9D];
	_ =	swait.ge [sflag:s4], $0x0  }
0x19: {  	s7 =	sld [smem:$0x3F9E]  }
0x1a: {  	s8 =	sadd.s32 $0xFFFFE003, lr  }
0x1b: {  	s9 =	sadd.s32 $0xFFFFFEF7, lr;
	s5 =	simm.s32 $0xFFFFFFFF;
	p2 =	slt.u32 s8, $0xFFFFF086  }
0x1c: {  	p1 =	slt.u32 s9, $0xF7A;
	s5 =	simm.s32 @!p2 $0x0  }
0x1d: {  	s5 =	simm.s32 @p1 $0x1;
	p0 =	seq.s32 s7, s2  }
0x1e: {  	s7 =	smul.u32 @!p0 $0xF7A, s2;
	p2 =	seq.s32 @!p0 s5, $0x0  }
0x1f: {  	s9 =	smul.u32 $0xF7A, s1;
	s8 =	simm.s32 @!p0 $0x1BF5;
	p2 =	por !p2, p0  }
0x20: {  	[sflag:s8] =	ssyncset.s32 @!p0 $0xFFFFF086;
	s6 =	sadd.s32 @!p0 s3, s7;
	s7 =	simm.s32 @!p0 $0x108  }
0x21: {  	s3 =	sadd.s32 s3, s9;
	s6 =	sadd.s32 @!p0 $0x88, s6;
	s7 =	simm.s32 @p2 $0x1082  }
0x22: {  	[simem:s7], [sflag:s8] =	dma.local @!p0 [hbm:s6], $0xF7A  }
0x23: {  	s9 =	sor.u32 $0xD0000000, s2;
	s6 =	simm.s32 $0x108;
	_ =	swait.ge @!p0 [sflag:s8], $0x0  }
0x24: {  	s3 =	sadd.s32 $0x88, s3;
	s6 =	simm.s32 @!p1 $0x1082;
	[sflag:s4] =	ssyncset.s32 $0xFFFFF086  }
0x25: {  	[simem:s6], [sflag:s4] =	dma.local [hbm:s3], $0xF7A  }
0x26: {  	[smem:$0x3F9E] =	sst s1;
	(tag) =	ssettag s2;
	_ =	strace s9  }
0x27: {  	s1 =	sld [smem:$0x3FAE]  }
0x28: {  	s2 =	sld [smem:$0x3FAF]  }
0x29: {  	s4 =	sld [smem:$0x3FB1]  }
0x2a: {  	p0 =	seq.s32 s5, $0x0;
	s5 =	sld [smem:$0x3FB2]  }
0x2b: {  	s6 =	sld [smem:$0x3FB3]  }
0x2c: {  	s7 =	sld [smem:$0x3FB4]  }
0x2d: {  	s3 =	simm.s32 $0x108;
	s8 =	sld [smem:$0x3FB5]  }
0x2e: {  	s3 =	simm.s32 @!p0 $0x1082;
	s9 =	sld [smem:$0x3FB6]  }
0x2f: {  	lr =	sadd.s32 s0, s3;
	s0 =	sld [smem:$0x3FAD]  }
0x30: {  	s3 =	sld [smem:$0x3FB0]  }
0x31: {  	[smem:$0x3FB9] =	sst s10  }
0x32: {  	s10 =	sld [smem:$0x3FB7];
	_ =	sdelay $0x3  }
0x33: {  	p0 =	seq.s32 s10, $0x1;
	s10 =	sld [smem:$0x3FB9];
	_ =	sdelay $0x3  }
0x34: {  	[smem:$0x3FB9] =	sst s10  }
0x35: {  	s10 =	sld [smem:$0x3FB8];
	_ =	sdelay $0x3  }
0x36: {  	p1 =	seq.s32 s10, $0x1;
	s10 =	sld [smem:$0x3FB9];
	_ =	sdelay $0x3  }
0x37: {  	[smem:$0x3FB9] =	sst s10  }
0x38: {  	s10 =	sld [smem:$0x3FBA]  }
0x39: {  	_ = 	snop;
	(pc) =	sbr.ind lr, $3  }
0x3a: {  	_ = 	snop  }
0x3b: {  	_ = 	snop  }
0x3c: {  	p2 =	seq.s32 s10, $0x1;
	s10 =	sld [smem:$0x3FB9]  }
0x3d: {  	_ =	shalt  }
0x3e: {  	_ =	shalt  }
0x3f: {  	_ =	shalt  }
0x40: {  	_ =	shalt  }
0x41: {  	_ =	shalt  }
0x42: {  	_ =	shalt  }
0x43: {  	_ =	shalt  }
0x44: {  	_ =	shalt  }
0x45: {  	_ =	shalt  }
0x46: {  	_ =	shalt  }
0x47: {  	_ =	shalt  }
0x48: {  	_ =	shalt  }
0x49: {  	_ =	shalt  }
0x4a: {  	_ =	shalt  }
0x4b: {  	_ =	shalt  }
0x4c: {  	_ =	shalt  }
0x4d: {  	_ =	shalt  }
0x4e: {  	_ =	shalt  }
0x4f: {  	_ =	shalt  }
0x50: {  	_ =	shalt  }
0x51: {  	_ =	shalt  }
0x52: {  	_ =	shalt  }
0x53: {  	_ =	shalt  }
0x54: {  	_ =	shalt  }
0x55: {  	_ =	shalt  }
0x56: {  	_ =	shalt  }
0x57: {  	_ =	shalt  }
0x58: {  	_ =	shalt  }
0x59: {  	_ =	shalt  }
0x5a: {  	_ =	shalt  }
0x5b: {  	_ =	shalt  }
0x5c: {  	_ =	shalt  }
0x5d: {  	_ =	shalt  }
0x5e: {  	_ =	shalt  }
0x5f: {  	_ =	shalt  }
0x60: {  	_ =	shalt  }
0x61: {  	_ =	shalt  }
0x62: {  	_ =	shalt  }
0x63: {  	_ =	shalt  }
0x64: {  	_ =	shalt  }
0x65: {  	_ =	shalt  }
0x66: {  	_ =	shalt  }
0x67: {  	_ =	shalt  }
0x68: {  	_ =	shalt  }
0x69: {  	_ =	shalt  }
0x6a: {  	_ =	shalt  }
0x6b: {  	_ =	shalt  }
0x6c: {  	_ =	shalt  }
0x6d: {  	_ =	shalt  }
0x6e: {  	_ =	shalt  }
0x6f: {  	_ =	shalt  }
0x70: {  	_ =	shalt  }
0x71: {  	_ =	shalt  }
0x72: {  	_ =	shalt  }
0x73: {  	_ =	shalt  }
0x74: {  	_ =	shalt  }
0x75: {  	_ =	shalt  }
0x76: {  	_ =	shalt  }
0x77: {  	_ =	shalt  }
0x78: {  	_ =	shalt  }
0x79: {  	_ =	shalt  }
0x7a: {  	_ =	shalt  }
0x7b: {  	_ =	shalt  }
0x7c: {  	_ =	shalt  }
0x7d: {  	_ =	shalt  }
0x7e: {  	_ =	shalt  }
0x7f: {  	_ =	shalt  }
0x80: {  	_ =	shalt  }
0x81: {  	_ =	shalt  }
0x82: {  	_ =	shalt  }
0x83: {  	_ =	shalt  }
0x84: {  	_ =	shalt  }
0x85: {  	_ =	shalt  }
0x86: {  	_ =	shalt  }
0x87: {  	_ =	shalt  }
.Lfunc_end0:
.L_simem_size_0:
called_computation_lowered:
.L_overlay_start_0:
0x88: {  	s2 =	sld [smem:$0x3FD9]  }
0x89: {  	s3 =	sld [smem:$0x3FFE];
	_ =	sdelay $0x1  }
0x8a: {  	s1 =	srdreg.scid  }
0x8b: {  	s0 =	sand.u32 $0x1, s1  }
0x8c: {  	s17 =	sshll.u32 s0, $0xA;
	s2 =	sadd.s32 s3, s2  }
0x8d: {  	s2 =	sadd.s32 s2, s17  }
0x8e: {  	[smem:$0x3FC5] =	sst s2  }
0x8f: {  	_ = 	snop  }
0x90: {  	s2 =	sld [smem:$0x3FD0];
	(tm) =	ssettm $0x1  }
0x91: {  	s18 =	sld [smem:$0x3FFB];
	_ =	sdelay $0x3  }
0x92: {  	_ =	strace s18  }
0x93: {  	s3 =	sld [smem:$0x3FFC];
	_ =	sdelay $0x3  }
0x94: {  	_ =	strace s3  }
0x95: {  	s3 =	sld [smem:$0x3FFD];
	_ =	sdelay $0x3  }
0x96: {  	_ =	strace s3  }
0x97: {  	_ =	strace $0x8FFFFFFF  }
0x98: {  	s19 =	sld [smem:$0x3FDB];
	_ =	sdelay $0x1  }
0x99: {  	s4 =	simm.s32 $_scs_section_size  }
0x9a: {  	s5 =	simm.s32 $_size__tile_overlayer_lowered;
	s6 =	simm.s32 $_tile_overlayer_lowered  }
0x9b: {  	s22 =	simm.s32 $0x1BFF;
	s21 =	sshll.u32 s6, $0x1;
	s3 =	sadd.s32 s4, s19  }
0x9c: {  	s7 =	simm.s32 $0x0;
	s20 =	sshll.u32 s5, $0x1;
	s5 =	sadd.s32 s21, s3  }
0x9d: {  	[timem:s7], [sflag:s22] =	dma.local [hbm:s5], s20  }
0x9e: {  	_ =	swait.ge [sflag:s22], s20  }
0x9f: {  	s4 =	ssub.s32 $0x0, s20;
	[sflag:s22] =	ssyncset.done $0x0  }
0xa0: {  	[sflag:s22] =	ssyncadd.s32 s4;
	_ =	sdelay $0x1  }
0xa1: {  	s23 =	simm.s32 $0x1B8B  }
0xa2: {  	_ =	swait.ge [sflag:s23], $0x1  }
0xa3: {  	[sflag:s23] =	ssyncset.done $0x0  }
0xa4: {  	s25 =	simm.s32 $0x1B8E;
	s24 =	sld [smem:$0x3FFE];
	[sflag:s23] =	ssyncadd.s32 $0xFFFFFFFF  }
0xa5: {  	s26 =	simm.s32 $execute0_lowered;
	[smem:$0x3FD2] =	sst s25  }
0xa6: {  	s5 =	sshll.u32 s26, $0x1;
	_ =	strace $0x80000046;
	[dreg:$0x1] =	wrdreg $0xFFFFFFFF  }
0xa7: {  	s28 =	simm.s32 $_size_execute0_lowered;
	s3 =	sadd.s32 s3, s5;
	[dreg:$0x0] =	wrdreg $0x0  }
0xa8: {  	s5 =	sshll.u32 s28, $0x1;
	[dreg:$0x2] =	wrdreg s3  }
0xa9: {  	[dreg:$0x3] =	wrdreg s5  }
0xaa: {  	[dreg:$0x4] =	wrdreg $0xC0  }
0xab: {  	_ =	task [dreg:s7], $0x5FFFF  }
0xac: {  	[dreg:$0x1] =	wrdreg $0xFFFFFFFF  }
0xad: {  	[dreg:$0x0] =	wrdreg $0x60  }
0xae: {  	[dreg:$0x2] =	wrdreg s24  }
0xaf: {  	[dreg:$0x3] =	wrdreg s2  }
0xb0: {  	[dreg:$0x4] =	wrdreg $0x9  }
0xb1: {  	_ =	task.clear_ibuf [dreg:s7], $0x5FFFF;
	_ =	strace $0x90000046  }
0xb2: {  	s29 =	simm.s32 $0x9;
	_ =	strace $0x80000048  }
0xb3: {  	_ =	swait.ge [sflag:s29], $0x1  }
0xb4: {  	[sflag:s29] =	ssyncadd.s32 $0xFFFFFFFF  }
0xb5: {  	_ =	strace $0x90000048  }
0xb6: {  	_ =	sfence  }
0xb7: {  	s30 =	sld [smem:$0x0];
	_ =	sdelay $0x2  }
0xb8: {  	s31 =	sshll.u32 s1, $0xD;
	s1 =	sshrl.u32 s1, $0x2  }
0xb9: {  	s3 =	sand.u32 $0x4000, s31;
	s1 =	sadd.s32 s1, s30  }
0xba: {  	s0 =	sor.u32 s3, s0;
	s1 =	sshll.u32 s1, $0x11  }
0xbb: {  	s0 =	sor.u32 s1, s0  }
0xbc: {  	s0 =	sadd.s32 $0x8F2B, s0  }
0xbd: {  	[sflag:s0] =	ssyncadd.remote.s32 $0x1  }
0xbe: {  	_ =	sfence.sel $0xFFFF  }
0xbf: {  	[dreg:$0x0] =	wrdreg $0xFFFFFFFF;
	(pc) =	sbr.abs _section_cstart, $3  }
0xc0: {  	[dreg:$0x1] =	wrdreg $0xFFFFFFFF  }
0xc1: {  	_ =	task.clear_ibuf [dreg:s7], $0x2FFFF;
	_ =	strace $0x9FFFFFFF  }
0xc2: {  	(tm) =	ssettm $0x7FFFFFFF  }
0xc3: {  	_ =	shalt  }
tec
execute0_lowered:
.L_overlay_start_1:
0x0: {  	(tag) =	ssettag $0x1  }
0x1: {  	v0 =	vlaneseq.u32  }
0x2: {  	v0 =	vmul.u32 $0x80, v0;
	_ =	sdelay $0x1  }
0x3: {  	v1 =	vor.u32 $0x1, v0  }
0x4: {  	[tilespmem:$0x1FD10] =	vst v1;
	v1 =	vor.u32 $0x2, v0  }
0x5: {  	[tilespmem:$0x1FD20] =	vst v1;
	v1 =	vor.u32 $0x3, v0  }
0x6: {  	[tilespmem:$0x1FD30] =	vst v1;
	v1 =	vor.u32 $0x800, v0  }
0x7: {  	[tilespmem:$0x1FD40] =	vst v1;
	v1 =	vor.u32 $0x801, v0  }
0x8: {  	[tilespmem:$0x1FD50] =	vst v1;
	v1 =	vor.u32 $0x802, v0  }
0x9: {  	[tilespmem:$0x1FD60] =	vst v1;
	v1 =	vor.u32 $0x803, v0  }
0xa: {  	[tilespmem:$0x1FD70] =	vst v1;
	v1 =	vor.u32 $0x1000, v0  }
0xb: {  	[tilespmem:$0x1FD80] =	vst v1;
	v1 =	vor.u32 $0x1001, v0  }
0xc: {  	[tilespmem:$0x1FD90] =	vst v1;
	v1 =	vor.u32 $0x1002, v0  }
0xd: {  	[tilespmem:$0x1FDA0] =	vst v1;
	v1 =	vor.u32 $0x1003, v0  }
0xe: {  	[tilespmem:$0x1FDB0] =	vst v1;
	v1 =	vor.u32 $0x1800, v0  }
0xf: {  	[tilespmem:$0x1FDC0] =	vst v1;
	v1 =	vor.u32 $0x1801, v0  }
0x10: {  	[tilespmem:$0x1FDD0] =	vst v1;
	v1 =	vor.u32 $0x1802, v0  }
0x11: {  	[tilespmem:$0x1FDE0] =	vst v1;
	v1 =	vor.u32 $0x1803, v0  }
0x12: {  	[tilespmem:$0x1FDF0] =	vst v1;
	v1 =	vor.u32 $0x2000, v0  }
0x13: {  	[tilespmem:$0x1FE00] =	vst v1;
	v1 =	vor.u32 $0x2001, v0  }
0x14: {  	[tilespmem:$0x1FE10] =	vst v1;
	v1 =	vor.u32 $0x2002, v0  }
0x15: {  	[tilespmem:$0x1FE20] =	vst v1;
	v1 =	vor.u32 $0x2003, v0  }
0x16: {  	[tilespmem:$0x1FE30] =	vst v1;
	v1 =	vor.u32 $0x2800, v0  }
0x17: {  	[tilespmem:$0x1FE40] =	vst v1;
	v1 =	vor.u32 $0x2801, v0  }
0x18: {  	[tilespmem:$0x1FE50] =	vst v1;
	v1 =	vor.u32 $0x2802, v0  }
0x19: {  	[tilespmem:$0x1FE60] =	vst v1;
	v1 =	vor.u32 $0x2803, v0  }
0x1a: {  	[tilespmem:$0x1FE70] =	vst v1;
	v1 =	vor.u32 $0x3000, v0  }
0x1b: {  	[tilespmem:$0x1FE80] =	vst v1;
	v1 =	vor.u32 $0x3001, v0  }
0x1c: {  	s3 =	rddreg [dreg:$0x0];
	[tilespmem:$0x1FE90] =	vst v1;
	v1 =	vor.u32 $0x3002, v0  }
0x1d: {  	s4 =	rddreg [dreg:$0x1];
	s2 =	simm.s32 $0x0;
	[tilespmem:$0x1FEA0] =	vst v1;
	v1 =	vor.u32 $0x3003, v0  }
0x1e: {  	[smem:$0x7FF] =	sst s2;
	[tilespmem:$0x1FEB0] =	vst v1;
	v1 =	vor.u32 $0x3800, v0  }
0x1f: {  	s0 =	rddreg [dreg:$0x2];
	_ =	strace $0x80000047;
	[tilespmem:$0x1FEC0] =	vst v1;
	v1 =	vor.u32 $0x3801, v0  }
0x20: {  	[tilespmem:$0x1FED0] =	vst v1;
	v1 =	vor.u32 $0x3802, v0  }
0x21: {  	[tilespmem:$0x1FEE0] =	vst v1;
	v1 =	vor.u32 $0x3803, v0  }
0x22: {  	[tilespmem:$0x1FEF0] =	vst v1;
	v1 =	vor.u32 $0x4000, v0  }
0x23: {  	[tilespmem:$0x1FF00] =	vst v1;
	v1 =	vor.u32 $0x4001, v0  }
0x24: {  	[tilespmem:$0x1FF10] =	vst v1;
	v1 =	vor.u32 $0x4002, v0  }
0x25: {  	[tilespmem:$0x1FF20] =	vst v1;
	v1 =	vor.u32 $0x4003, v0  }
0x26: {  	[tilespmem:$0x1FF30] =	vst v1;
	v1 =	vor.u32 $0x4800, v0  }
0x27: {  	[tilespmem:$0x1FF40] =	vst v1;
	v1 =	vor.u32 $0x4801, v0  }
0x28: {  	[tilespmem:$0x1FF50] =	vst v1;
	v1 =	vor.u32 $0x4802, v0  }
0x29: {  	[tilespmem:$0x1FF60] =	vst v1;
	v1 =	vor.u32 $0x4803, v0  }
0x2a: {  	s1 =	stileid.u32;
	s5 =	srdreg.scid;
	s10 =	simm.s32 $0x8000;
	[tilespmem:$0x1FF70] =	vst v1;
	v1 =	vor.u32 $0x5000, v0  }
0x2b: {  	s11 =	simm.s32 $0x8A00;
	s12 =	simm.s32 $0x0;
	s6 =	sshrl.u32 s1, $0x1;
	[tilespmem:$0x1FF80] =	vst v1;
	v1 =	vor.u32 $0x5001, v0  }
0x2c: {  	s5 =	sand.u32 $0x1, s5;
	s7 =	sshll.u32 s1, $0x1;
	s8 =	sshll.u32 s6, $0xF;
	[tilespmem:$0x1FF90] =	vst v1;
	v1 =	vor.u32 $0x5002, v0  }
0x2d: {  	s7 =	sor.u32 s5, s7;
	s5 =	ssub.s32 $0x2, s5;
	s31 =	sshll.u32 s6, $0x4;
	[tilespmem:$0x1FFA0] =	vst v1;
	v1 =	vor.u32 $0x5003, v0  }
0x2e: {  	s8 =	sadd.s32 s8, s3;
	s9 =	sshll.u32 s7, $0xC;
	s7 =	sshll.u32 s7, $0x5;
	[tilespmem:$0x1FFB0] =	vst v1;
	v1 =	vor.u32 $0x5800, v0  }
0x2f: {  	s29 =	sshrl.u32 s5, $0x1;
	s4 =	sadd.s32 s4, s31;
	s9 =	sand.u32 $0x3000, s9;
	[tilespmem:$0x1FFC0] =	vst v1;
	v1 =	vor.u32 $0x5801, v0  }
0x30: {  	s7 =	sadd.s32 s7, s3;
	s30 =	ssub.s32 s5, s29;
	s8 =	sadd.s32 s9, s8;
	[tilespmem:$0x1FFD0] =	vst v1;
	v1 =	vor.u32 $0x5802, v0  }
0x31: {  	s5 =	sadd.s32 $0x40400, s7;
	s6 =	smax.u32 s30, $0x1;
	s7 =	simm.s32 $0x1;
	[tilespmem:$0x1FFE0] =	vst v1;
	v1 =	vor.u32 $0x5803, v0  }
0x32: {  	v48 =	vor.u32 $0x6000, v0;
	s9 =	simm.s32 $0x400;
	s3 =	sadd.s32 $0x400, s8;
	s8 =	simm.s32 $0x80;
	[tilespmem:$0x1FFF0] =	vst v1  }
.LBB2_1:
0x33: {  	[tilespmem:s2], [sflag:$0x1] =	stream.linear.gather [hbm4b:s3+s2], $0x8000, $0x38;
	[tilespmem:$0x8B00] =	vst v63  }
0x34: {  	_ =	swait.ge [sflag:s7], $0x8000  }
0x35: {  	[sflag:s7] =	ssyncset.done $0x0  }
0x36: {  	[sflag:s7] =	ssyncadd.s32 $0xFFFF8000  }
0x37: {  	[tilespmem:s10], [sflag:$0x1] =	stream.strided.gather [hbm4b:s4+s8], $0x800, s9, s8, $0x38;
	[tilespmem:$0x8B00] =	vst v63  }
0x38: {  	_ =	swait.ge [sflag:s7], $0x800  }
0x39: {  	[sflag:s7] =	ssyncset.done $0x0  }
0x3a: {  	s13 =	sand.u32 $0x1F0, s2;
	[sflag:s7] =	ssyncadd.s32 $0xFFFFF800  }
0x3b: {  	s15 =	simm.s32 $0x10;
	s14 =	simm.s32 $0x8000;
	v1 =	vld [tilespmem:s13+$0x8200]  }
.LBB2_2:
0x3c: {  	p0 =	sne.s32 s15, $0x1F0;
	v2 =	vld [tilespmem:s14+$0x0];
	_ =	sdelay $0x1  }
0x3d: {  	v3 =	vld [tilespmem:s13+$0x8400];
	_ =	sdelay $0x1  }
0x3e: {  	v4 =	vld [tilespmem:s13+$0x8600]  }
0x3f: {  	v1 =	vadd.f32 v1, v2;
	_ =	sdelay $0x1  }
0x40: {  	v1 =	vadd.f32 v3, v1;
	_ =	sdelay $0x1  }
.Ltmp0:
0x41: {  	v1 =	vadd.f32 v4, v1;
	(pc) =	sbr.rel @p0 .LBB2_2-.Ltmp0, $4  }
0x42: {  	_ = 	snop  }
0x43: {  	v2 =	vmul.f32 $5.000000000e-01, v1  }
0x44: {  	s16 =	sand.u32 $0x1F0, s15  }
0x45: {  	s15 =	sadd.s32 $0x10, s15;
	s14 =	sadd.s32 $0x10, s14;
	v1 =	vld [tilespmem:s16+$0x8200];
	[tilespmem:s13+$0x8800] =	vst v2;
	s13 =	smov.u32 s16  }
0x46: {  	v2 =	vld [tilespmem:s14+$0x0];
	_ =	sdelay $0x1  }
0x47: {  	v3 =	vld [tilespmem:s13+$0x8400];
	_ =	sdelay $0x1  }
0x48: {  	v4 =	vld [tilespmem:s13+$0x8600]  }
0x49: {  	v1 =	vadd.f32 v1, v2  }
0x4a: {  	v6 =	vld [tilespmem:$0x1FDC0]  }
0x4b: {  	v1 =	vadd.f32 v3, v1;
	_ =	sdelay $0x1  }
0x4c: {  	v3 =	vld [tilespmem:$0x1FD40];
	v1 =	vadd.f32 v4, v1;
	_ =	sdelay $0x1  }
0x4d: {  	v1 =	vmul.f32 $5.000000000e-01, v1;
	_ =	sdelay $0x1  }
0x4e: {  	s21 =	simm.s32 $0x0;
	v7 =	vld [tilespmem:$0x1FE50];
	[tilespmem:s13+$0x8800] =	vst v1  }
0x4f: {  	v60 =	vld.idx.msk [tilespmem:v6+s21+$0x0], $0xffff  }
0x50: {  	v6 =	vld [tilespmem:$0x1FDD0]  }
0x51: {  	v8 =	vld [tilespmem:$0x1FE90]  }
0x52: {  	v58 =	vld.idx.msk [tilespmem:v3+s21+$0x0], $0xffff  }
0x53: {  	v3 =	vld [tilespmem:$0x1FD50];
	_ =	sdelay $0x1  }
0x54: {  	v9 =	vld [tilespmem:$0x1FED0]  }
0x55: {  	v1 =	vld [tilespmem:$0x1FD10]  }
0x56: {  	v55 =	vld.idx.msk [tilespmem:v7+s21+$0x0], $0xffff  }
0x57: {  	v63 =	vld.idx.msk [tilespmem:v6+s21+$0x0], $0xffff  }
0x58: {  	s22 =	simm.s32 $0x200;
	v6 =	vld [tilespmem:$0x1FE00]  }
0x59: {  	v7 =	vmov s22;
	v52 =	vld.idx.msk [tilespmem:v8+s21+$0x0], $0xffff  }
0x5a: {  	v61 =	vld.idx.msk [tilespmem:v3+s21+$0x0], $0xffff  }
0x5b: {  	v3 =	vld [tilespmem:$0x1FD60]  }
0x5c: {  	v8 =	vld [tilespmem:$0x1FEC0]  }
0x5d: {  	v56 =	vld.idx.msk [tilespmem:v9+s21+$0x0], $0xffff  }
0x5e: {  	v9 =	vld.idx.msk [tilespmem:v7+s10+$0x0], $0xffff  }
0x5f: {  	v7 =	vld [tilespmem:$0x1FEE0]  }
0x60: {  	v51 =	vld.idx.msk [tilespmem:v6+s21+$0x0], $0xffff  }
0x61: {  	v6 =	vld [tilespmem:$0x1FE10]  }
0x62: {  	v5 =	vld.idx.msk [tilespmem:v0+s21+$0x0], $0xffff  }
0x63: {  	v4 =	vld.idx.msk [tilespmem:v3+s21+$0x0], $0xffff  }
0x64: {  	v3 =	vld [tilespmem:$0x1FD80]  }
0x65: {  	s23 =	simm.s32 $0x400;
	v57 =	vld.idx.msk [tilespmem:v1+s21+$0x0], $0xffff  }
0x66: {  	v50 =	vld.idx.msk [tilespmem:v8+s21+$0x0], $0xffff;
	v8 =	vmov s23  }
0x67: {  	v1 =	vld [tilespmem:$0x1FD20]  }
0x68: {  	v53 =	vld.idx.msk [tilespmem:v7+s21+$0x0], $0xffff  }
0x69: {  	v54 =	vld.idx.msk [tilespmem:v6+s21+$0x0], $0xffff;
	v6 =	vmov s21  }
0x6a: {  	v7 =	vld [tilespmem:$0x1FEF0]  }
0x6b: {  	s25 =	simm.s32 $0x800;
	v14 =	vld.idx.msk [tilespmem:v8+s10+$0x0], $0xffff  }
0x6c: {  	v8 =	vmov s25;
	v59 =	vld.idx.msk [tilespmem:v3+s21+$0x0], $0xffff  }
0x6d: {  	v3 =	vld [tilespmem:$0x1FD90]  }
0x6e: {  	v12 =	vld.idx.msk [tilespmem:v6+s10+$0x0], $0xffff  }
0x6f: {  	v2 =	vld.idx.msk [tilespmem:v1+s21+$0x0], $0xffff  }
0x70: {  	v1 =	vld [tilespmem:$0x1FD30]  }
0x71: {  	s24 =	simm.s32 $0x600;
	v20 =	vld.idx.msk [tilespmem:v8+s10+$0x0], $0xffff  }
0x72: {  	v49 =	vld.idx.msk [tilespmem:v7+s21+$0x0], $0xffff;
	v6 =	vmov s24  }
0x73: {  	v17 =	vmin.f32 v57, v9;
	v7 =	vld [tilespmem:$0x1FE80];
	v13 =	vmin.f32 v5, v12  }
0x74: {  	v30 =	vadd.f32 v17, v13;
	v13 =	vld [tilespmem:$0x1FD70]  }
0x75: {  	v62 =	vld.idx.msk [tilespmem:v3+s21+$0x0], $0xffff  }
0x76: {  	v3 =	vld [tilespmem:$0x1FDA0]  }
0x77: {  	v11 =	vmin.f32 v56, v9;
	v18 =	vld.idx.msk [tilespmem:v6+s10+$0x0], $0xffff;
	v10 =	vmin.f32 v50, v12  }
0x78: {  	v6 =	vld [tilespmem:$0x1FE40];
	v10 =	vadd.f32 v11, v10  }
0x79: {  	v24 =	vmin.f32 v55, v9;
	v25 =	vmin.f32 v52, v9;
	v8 =	vmin.f32 v53, v14;
	v11 =	vld [tilespmem:$0x1FDE0]  }
0x7a: {  	v22 =	vmin.f32 v63, v9;
	v19 =	vmin.f32 v61, v9;
	v10 =	vadd.f32 v8, v10;
	v8 =	vld [tilespmem:$0x1FE20]  }
0x7b: {  	v23 =	vmin.f32 v54, v9;
	v15 =	vmin.f32 v58, v12;
	v21 =	vmin.f32 v62, v9;
	v9 =	vld [tilespmem:$0x1FE60]  }
0x7c: {  	v19 =	vadd.f32 v19, v15;
	v15 =	vld.idx.msk [tilespmem:v13+s21+$0x0], $0xffff  }
0x7d: {  	v13 =	vld [tilespmem:$0x1FDB0]  }
0x7e: {  	v7 =	vld.idx.msk [tilespmem:v7+s21+$0x0], $0xffff;
	v27 =	vmin.f32 v49, v18  }
0x7f: {  	v27 =	vadd.f32 v27, v10;
	v10 =	vld [tilespmem:$0x1FEA0]  }
0x80: {  	v3 =	vld.idx.msk [tilespmem:v3+s21+$0x0], $0xffff  }
0x81: {  	v6 =	vld.idx.msk [tilespmem:v6+s21+$0x0], $0xffff  }
0x82: {  	v11 =	vld.idx.msk [tilespmem:v11+s21+$0x0], $0xffff  }
0x83: {  	v8 =	vld.idx.msk [tilespmem:v8+s21+$0x0], $0xffff  }
0x84: {  	v16 =	vmin.f32 v59, v12;
	v9 =	vld.idx.msk [tilespmem:v9+s21+$0x0], $0xffff  }
0x85: {  	v21 =	vadd.f32 v21, v16;
	v16 =	vld.idx.msk [tilespmem:v13+s21+$0x0], $0xffff  }
0x86: {  	v13 =	vld [tilespmem:$0x1FDF0]  }
0x87: {  	v26 =	vmin.f32 v60, v12;
	v10 =	vld.idx.msk [tilespmem:v10+s21+$0x0], $0xffff  }
0x88: {  	v28 =	vmin.f32 v51, v12;
	v29 =	vmin.f32 v6, v12;
	v12 =	vmin.f32 v7, v12  }
0x89: {  	v31 =	vmin.f32 v2, v14;
	v22 =	vadd.f32 v22, v26;
	v25 =	vadd.f32 v25, v12;
	v12 =	vld [tilespmem:$0x1FE30]  }
0x8a: {  	v32 =	vmin.f32 v4, v14;
	v23 =	vadd.f32 v23, v28;
	v30 =	vadd.f32 v31, v30  }
0x8b: {  	v1 =	vld.idx.msk [tilespmem:v1+s21+$0x0], $0xffff;
	v26 =	vmin.f32 v3, v14;
	v24 =	vadd.f32 v24, v29;
	v28 =	vmin.f32 v11, v14  }
0x8c: {  	v29 =	vmin.f32 v8, v14;
	v33 =	vmin.f32 v9, v14;
	v31 =	vmin.f32 v10, v14;
	v14 =	vld [tilespmem:$0x1FEB0]  }
0x8d: {  	s26 =	simm.s32 $0x1  }
0x8e: {  	v22 =	vadd.f32 v28, v22;
	v28 =	vmov s26;
	v17 =	vld.idx.msk [tilespmem:v13+s21+$0x0], $0xffff  }
0x8f: {  	s28 =	simm.s32 $0x201;
	v13 =	vld [tilespmem:$0x1FE70]  }
0x90: {  	v41 =	vmov s28  }
0x91: {  	v19 =	vadd.f32 v32, v19;
	v40 =	vmin.f32 v1, v18;
	v12 =	vld.idx.msk [tilespmem:v12+s21+$0x0], $0xffff  }
0x92: {  	s29 =	simm.s32 $0x401;
	v30 =	vadd.f32 v40, v30;
	v21 =	vadd.f32 v26, v21;
	v26 =	vmin.f32 v15, v18  }
0x93: {  	v35 =	vmov s29;
	v27 =	vsub.f32 v20, v27;
	v19 =	vadd.f32 v26, v19;
	v26 =	vld.idx.msk [tilespmem:v28+s10+$0x0], $0xffff  }
0x94: {  	v30 =	vsub.f32 v20, v30;
	v25 =	vadd.f32 v31, v25;
	v14 =	vld.idx.msk [tilespmem:v14+s21+$0x0], $0xffff;
	v31 =	vmin.f32 v17, v18  }
0x95: {  	v23 =	vadd.f32 v29, v23;
	v29 =	vmin.f32 v16, v18;
	v22 =	vadd.f32 v31, v22;
	v31 =	vld.idx.msk [tilespmem:v41+s10+$0x0], $0xffff  }
0x96: {  	s31 =	simm.s32 $0x801;
	v19 =	vsub.f32 v20, v19;
	v21 =	vadd.f32 v29, v21;
	v34 =	vmin.f32 v12, v18  }
0x97: {  	s30 =	simm.s32 $0x601;
	v45 =	vmov s31;
	v24 =	vadd.f32 v33, v24;
	v23 =	vadd.f32 v34, v23;
	v13 =	vld.idx.msk [tilespmem:v13+s21+$0x0], $0xffff  }
0x98: {  	v28 =	vmov s30;
	v43 =	vsub.f32 v20, v21;
	v47 =	vmin.f32 v5, v26  }
0x99: {  	v33 =	vmin.f32 v59, v26;
	v46 =	vsub.f32 v20, v23;
	v36 =	vmin.f32 v14, v18  }
0x9a: {  	v35 =	vld.idx.msk [tilespmem:v35+s10+$0x0], $0xffff;
	v29 =	vadd.f32 v36, v25;
	v44 =	vsub.f32 v20, v22;
	v37 =	vmin.f32 v57, v31  }
0x9b: {  	v38 =	vmin.f32 v61, v31;
	v39 =	vmin.f32 v63, v31;
	v32 =	vadd.f32 v37, v47  }
0x9c: {  	v47 =	vmin.f32 v55, v31;
	v42 =	vmin.f32 v13, v18;
	v18 =	vimm.f32 $1.000000020e+30  }
0x9d: {  	v24 =	vadd.f32 v42, v24;
	v27 =	vmin.f32 v18, v27;
	v23 =	vmin.f32 v18, v30  }
0x9e: {  	v21 =	vmin.f32 v18, v19;
	v22 =	vmin.f32 v18, v43;
	v19 =	vmin.f32 v18, v44  }
0x9f: {  	v30 =	vmin.f32 v56, v31;
	v44 =	vmin.f32 v53, v35;
	v42 =	vmin.f32 v60, v26  }
0xa0: {  	v25 =	vsub.f32 v20, v24;
	v24 =	vsub.f32 v20, v29;
	v29 =	vld.idx.msk [tilespmem:v28+s10+$0x0], $0xffff;
	v28 =	vmin.f32 v50, v26  }
0xa1: {  	v43 =	vmin.f32 v51, v26;
	v39 =	vadd.f32 v39, v42;
	v28 =	vadd.f32 v30, v28  }
0xa2: {  	v42 =	vmin.f32 v3, v35;
	v20 =	vmin.f32 v18, v46;
	v30 =	vmin.f32 v58, v26  }
0xa3: {  	v46 =	vmin.f32 v54, v31;
	v30 =	vadd.f32 v38, v30;
	v36 =	vadd.f32 v44, v28  }
0xa4: {  	v28 =	vld.idx.msk [tilespmem:v45+s10+$0x0], $0xffff;
	v45 =	vmin.f32 v62, v31;
	v31 =	vmin.f32 v52, v31;
	v44 =	vmin.f32 v6, v26  }
0xa5: {  	v26 =	vmin.f32 v7, v26;
	v33 =	vadd.f32 v45, v33;
	v45 =	vmin.f32 v2, v35  }
0xa6: {  	v37 =	vadd.f32 v47, v44;
	v41 =	vadd.f32 v31, v26;
	v40 =	vmin.f32 v49, v29  }
0xa7: {  	v47 =	vmin.f32 v8, v35;
	v34 =	vadd.f32 v45, v32;
	v36 =	vadd.f32 v40, v36  }
0xa8: {  	v38 =	vmin.f32 v1, v29;
	v40 =	vadd.f32 v46, v43;
	v46 =	vmin.f32 v4, v35  }
0xa9: {  	v31 =	vadd.f32 v46, v30;
	v30 =	vmin.f32 v9, v35;
	v36 =	vsub.f32 v28, v36  }
0xaa: {  	s13 =	simm.s32 $0x2;
	v43 =	vmin.f32 v10, v35;
	v32 =	vadd.f32 v42, v33;
	v30 =	vadd.f32 v30, v37  }
0xab: {  	v37 =	vmov s13;
	v26 =	vmin.f32 v27, v36;
	v27 =	vmin.f32 v11, v35  }
0xac: {  	v35 =	vadd.f32 v47, v40;
	v40 =	vmin.f32 v16, v29;
	v36 =	vadd.f32 v43, v41  }
0xad: {  	s15 =	simm.s32 $0x202;
	s14 =	simm.s32 $0x3;
	v33 =	vadd.f32 v27, v39;
	v39 =	vmin.f32 v15, v29;
	v27 =	vimm.f32 $1.000000020e+30  }
.LBB2_4:
0xae: {  	p0 =	sne.s32 s14, $0x1FF;
	v41 =	vmov s15;
	v42 =	vmin.f32 v17, v29;
	v43 =	vmin.f32 v12, v29  }
0xaf: {  	s15 =	sadd.s32 $0x400, s13;
	v34 =	vadd.f32 v38, v34;
	v38 =	vmin.f32 v13, v29;
	v29 =	vmin.f32 v14, v29  }
0xb0: {  	v31 =	vadd.f32 v39, v31;
	v32 =	vadd.f32 v40, v32;
	v44 =	vmov s15  }
0xb1: {  	v18 =	vmin.f32 v18, v25;
	s15 =	sadd.s32 $0x600, s13;
	v33 =	vadd.f32 v42, v33;
	v35 =	vadd.f32 v43, v35  }
0xb2: {  	v25 =	vadd.f32 v38, v30;
	v29 =	vadd.f32 v29, v36;
	v39 =	vmov s15;
	v37 =	vld.idx.msk [tilespmem:v37+s10+$0x0], $0xffff  }
0xb3: {  	v27 =	vmin.f32 v27, v24;
	v34 =	vsub.f32 v28, v34;
	v31 =	vsub.f32 v28, v31;
	v30 =	vld.idx.msk [tilespmem:v41+s10+$0x0], $0xffff  }
0xb4: {  	s15 =	sadd.s32 $0x800, s13;
	v32 =	vsub.f32 v28, v32;
	s13 =	smov.u32 s14;
	v33 =	vsub.f32 v28, v33  }
0xb5: {  	v38 =	vmov s15;
	v35 =	vsub.f32 v28, v35;
	v25 =	vsub.f32 v28, v25;
	v36 =	vld.idx.msk [tilespmem:v44+s10+$0x0], $0xffff  }
0xb6: {  	v24 =	vsub.f32 v28, v29;
	v23 =	vmin.f32 v23, v34;
	v21 =	vmin.f32 v21, v31  }
0xb7: {  	v22 =	vmin.f32 v22, v32;
	v19 =	vmin.f32 v19, v33;
	v20 =	vmin.f32 v20, v35;
	v29 =	vld.idx.msk [tilespmem:v39+s10+$0x0], $0xffff  }
0xb8: {  	v31 =	vmin.f32 v5, v37;
	v32 =	vmin.f32 v58, v37;
	v33 =	vmin.f32 v59, v37  }
0xb9: {  	v35 =	vmin.f32 v50, v37;
	v34 =	vmin.f32 v57, v30;
	v39 =	vmin.f32 v56, v30  }
0xba: {  	v40 =	vmin.f32 v62, v30;
	v35 =	vadd.f32 v39, v35;
	v28 =	vld.idx.msk [tilespmem:v38+s10+$0x0], $0xffff;
	v38 =	vmin.f32 v61, v30  }
0xbb: {  	v41 =	vmin.f32 v54, v30;
	v39 =	vmin.f32 v63, v30;
	v42 =	vmin.f32 v53, v36  }
0xbc: {  	v43 =	vmin.f32 v55, v30;
	v30 =	vmin.f32 v52, v30;
	v35 =	vadd.f32 v42, v35  }
0xbd: {  	v44 =	vmin.f32 v51, v37;
	v42 =	vmin.f32 v60, v37;
	v45 =	vmin.f32 v49, v29  }
0xbe: {  	v46 =	vmin.f32 v6, v37;
	v37 =	vmin.f32 v7, v37;
	v35 =	vadd.f32 v45, v35  }
0xbf: {  	v31 =	vadd.f32 v34, v31;
	v34 =	vmin.f32 v2, v36;
	v32 =	vadd.f32 v38, v32  }
0xc0: {  	v33 =	vadd.f32 v40, v33;
	v38 =	vmin.f32 v4, v36;
	v35 =	vsub.f32 v28, v35  }
0xc1: {  	v41 =	vadd.f32 v41, v44;
	v40 =	vmin.f32 v3, v36;
	v39 =	vadd.f32 v39, v42  }
0xc2: {  	v42 =	vadd.f32 v43, v46;
	v43 =	vadd.f32 v30, v37;
	v26 =	vmin.f32 v26, v35  }
.Ltmp1:
0xc3: {  	v30 =	vmin.f32 v11, v36;
	v37 =	vmin.f32 v9, v36;
	v35 =	vmin.f32 v8, v36;
	(pc) =	sbr.rel @p0 .LBB2_4-.Ltmp1, $4  }
0xc4: {  	v34 =	vadd.f32 v34, v31;
	v31 =	vadd.f32 v38, v32;
	v36 =	vmin.f32 v10, v36  }
0xc5: {  	v38 =	vmin.f32 v1, v29;
	v32 =	vadd.f32 v40, v33;
	v33 =	vadd.f32 v30, v39  }
0xc6: {  	v39 =	vmin.f32 v15, v29;
	v30 =	vadd.f32 v37, v42;
	v35 =	vadd.f32 v35, v41  }
0xc7: {  	s14 =	sadd.s32 $0x1, s14;
	s15 =	sadd.s32 $0x200, s13;
	v40 =	vmin.f32 v16, v29;
	v37 =	vmov s13;
	v36 =	vadd.f32 v36, v43  }
0xc8: {  	v41 =	vmov s15;
	s14 =	sadd.s32 $0x400, s13  }
0xc9: {  	v43 =	vmin.f32 v17, v29;
	v44 =	vmin.f32 v12, v29;
	s19 =	sadd.s32 $0x600, s13;
	v42 =	vmov s14  }
0xca: {  	v34 =	vadd.f32 v38, v34;
	v31 =	vadd.f32 v39, v31;
	v46 =	vmov s19  }
0xcb: {  	v47 =	vmin.f32 v13, v29;
	v32 =	vadd.f32 v40, v32;
	v33 =	vadd.f32 v43, v33  }
0xcc: {  	v37 =	vld.idx.msk [tilespmem:v37+s10+$0x0], $0xffff;
	v29 =	vmin.f32 v14, v29;
	v35 =	vadd.f32 v44, v35;
	v30 =	vadd.f32 v47, v30  }
0xcd: {  	v29 =	vadd.f32 v29, v36;
	v34 =	vsub.f32 v28, v34;
	v40 =	vld.idx.msk [tilespmem:v41+s10+$0x0], $0xffff  }
0xce: {  	v31 =	vsub.f32 v28, v31;
	v32 =	vsub.f32 v28, v32;
	v36 =	vld.idx.msk [tilespmem:v42+s10+$0x0], $0xffff  }
0xcf: {  	v33 =	vsub.f32 v28, v33;
	v35 =	vsub.f32 v28, v35;
	v38 =	vld.idx.msk [tilespmem:v46+s10+$0x0], $0xffff  }
0xd0: {  	v18 =	vmin.f32 v18, v25;
	v30 =	vsub.f32 v28, v30;
	v28 =	vsub.f32 v28, v29  }
0xd1: {  	s20 =	sadd.s32 $0x800, s13;
	v45 =	vmin.f32 v50, v37;
	v39 =	vmin.f32 v5, v37;
	v44 =	vmin.f32 v59, v37  }
0xd2: {  	v5 =	vadd.f32 v57, v5;
	v42 =	vmov s20;
	v41 =	vmin.f32 v56, v40  }
0xd3: {  	v46 =	vmin.f32 v62, v40;
	v29 =	vadd.f32 v41, v45;
	v41 =	vmin.f32 v58, v37  }
0xd4: {  	v43 =	vmin.f32 v53, v36;
	v45 =	vmin.f32 v57, v40;
	v47 =	vmin.f32 v49, v38  }
0xd5: {  	v44 =	vadd.f32 v46, v44;
	v46 =	vmin.f32 v51, v37;
	v39 =	vadd.f32 v45, v39  }
0xd6: {  	v45 =	vmin.f32 v54, v40;
	v29 =	vadd.f32 v43, v29;
	v43 =	vmin.f32 v61, v40  }
0xd7: {  	v42 =	vld.idx.msk [tilespmem:v42+s10+$0x0], $0xffff;
	v45 =	vadd.f32 v45, v46;
	v46 =	vmin.f32 v6, v37;
	v6 =	vadd.f32 v55, v6  }
0xd8: {  	v41 =	vadd.f32 v43, v41;
	v43 =	vmin.f32 v60, v37;
	v37 =	vmin.f32 v7, v37  }
0xd9: {  	v7 =	vadd.f32 v52, v7;
	v29 =	vadd.f32 v47, v29;
	v47 =	vmin.f32 v63, v40  }
0xda: {  	v6 =	vadd.f32 v9, v6;
	v43 =	vadd.f32 v47, v43;
	v47 =	vmin.f32 v55, v40  }
0xdb: {  	v40 =	vmin.f32 v52, v40;
	v7 =	vadd.f32 v10, v7;
	v46 =	vadd.f32 v47, v46  }
0xdc: {  	v24 =	vmin.f32 v27, v24;
	v37 =	vadd.f32 v40, v37;
	v27 =	vsub.f32 v42, v29  }
0xdd: {  	v47 =	vmin.f32 v2, v36;
	v2 =	vadd.f32 v2, v5;
	v5 =	vadd.f32 v62, v59  }
0xde: {  	v40 =	vmin.f32 v4, v36;
	v6 =	vadd.f32 v13, v6;
	v39 =	vadd.f32 v47, v39  }
0xdf: {  	v47 =	vmin.f32 v3, v36;
	v40 =	vadd.f32 v40, v41;
	v41 =	vmin.f32 v11, v36  }
0xe0: {  	v7 =	vadd.f32 v14, v7;
	v44 =	vadd.f32 v47, v44;
	v47 =	vmin.f32 v8, v36  }
0xe1: {  	v41 =	vadd.f32 v41, v43;
	v26 =	vmin.f32 v26, v27;
	v27 =	vadd.f32 v63, v60  }
0xe2: {  	v43 =	vadd.f32 v47, v45;
	v45 =	vmin.f32 v9, v36;
	v36 =	vmin.f32 v10, v36  }
0xe3: {  	v47 =	vmin.f32 v13, v38;
	v9 =	vadd.f32 v56, v50;
	v45 =	vadd.f32 v45, v46  }
0xe4: {  	v46 =	vmin.f32 v1, v38;
	v36 =	vadd.f32 v36, v37;
	v1 =	vadd.f32 v1, v2  }
0xe5: {  	v37 =	vmin.f32 v15, v38;
	v2 =	vadd.f32 v3, v5;
	v5 =	vadd.f32 v11, v27  }
0xe6: {  	v39 =	vadd.f32 v46, v39;
	v46 =	vmin.f32 v16, v38;
	v37 =	vadd.f32 v37, v40  }
0xe7: {  	v40 =	vmin.f32 v17, v38;
	v9 =	vadd.f32 v53, v9;
	v44 =	vadd.f32 v46, v44  }
0xe8: {  	v21 =	vmin.f32 v21, v31;
	v40 =	vadd.f32 v40, v41;
	v25 =	vadd.f32 v47, v45  }
0xe9: {  	v46 =	vmin.f32 v12, v38;
	v2 =	vadd.f32 v16, v2;
	v5 =	vadd.f32 v17, v5  }
0xea: {  	v38 =	vmin.f32 v14, v38;
	v31 =	vsub.f32 v42, v40;
	v40 =	vadd.f32 v61, v58  }
0xeb: {  	v23 =	vmin.f32 v23, v34;
	v41 =	vadd.f32 v46, v43;
	v36 =	vadd.f32 v38, v36  }
0xec: {  	v22 =	vmin.f32 v22, v32;
	v46 =	vsub.f32 v42, v44;
	v4 =	vadd.f32 v4, v40  }
0xed: {  	v19 =	vmin.f32 v19, v33;
	v29 =	vsub.f32 v42, v39;
	v45 =	vsub.f32 v42, v37  }
0xee: {  	v9 =	vadd.f32 v49, v9;
	v4 =	vadd.f32 v15, v4;
	v15 =	vmin.f32 v22, v46  }
0xef: {  	v18 =	vmin.f32 v18, v30;
	v25 =	vsub.f32 v42, v25;
	v2 =	vadd.f32 v15, v2  }
0xf0: {  	v47 =	vsub.f32 v42, v41;
	v39 =	vsub.f32 v42, v36;
	v3 =	vmin.f32 v23, v29  }
0xf1: {  	v16 =	vmin.f32 v19, v31;
	v2 =	vadd.f32 v2, v15;
	v15 =	vadd.f32 v54, v51  }
0xf2: {  	v1 =	vadd.f32 v3, v1;
	v17 =	vmin.f32 v18, v25;
	v5 =	vadd.f32 v16, v5  }
0xf3: {  	v11 =	vmin.f32 v21, v45;
	v6 =	vadd.f32 v17, v6;
	v8 =	vadd.f32 v8, v15  }
0xf4: {  	v20 =	vmin.f32 v20, v35;
	v1 =	vadd.f32 v1, v3;
	v4 =	vadd.f32 v11, v4  }
0xf5: {  	v3 =	vmin.f32 v24, v28;
	v5 =	vadd.f32 v5, v16;
	v8 =	vadd.f32 v12, v8  }
0xf6: {  	v3 =	vmin.f32 v3, v39;
	v4 =	vadd.f32 v4, v11;
	v11 =	vmin.f32 v20, v47  }
0xf7: {  	vm0 =	vge.f32 v1, $1.000000000e+08;
	v7 =	vadd.f32 v3, v7;
	v8 =	vadd.f32 v11, v8  }
0xf8: {  	v1 =	vsel vm0, $0x0, v1;
	vm10 =	vge.f32 v2, $1.000000000e+08;
	vm9 =	vge.f32 v4, $1.000000000e+08  }
0xf9: {  	[tilespmem:$0x8A00] =	vst v1;
	v1 =	vsel vm10, $0x0, v2;
	v4 =	vsel vm9, $0x0, v4;
	v2 =	vadd.f32 v8, v11  }
0xfa: {  	vm11 =	vge.f32 v5, $1.000000000e+08;
	[tilespmem:$0x8A10] =	vst v4;
	v4 =	vadd.f32 v6, v17;
	v6 =	vadd.f32 v26, v9  }
0xfb: {  	v3 =	vadd.f32 v7, v3;
	[tilespmem:$0x8A20] =	vst v1;
	v1 =	vsel vm11, $0x0, v5;
	vm12 =	vge.f32 v2, $1.000000000e+08  }
0xfc: {  	[tilespmem:$0x8A30] =	vst v1;
	vm13 =	vge.f32 v4, $1.000000000e+08;
	v1 =	vsel vm12, $0x0, v2;
	v2 =	vadd.f32 v6, v26  }
0xfd: {  	vm14 =	vge.f32 v3, $1.000000000e+08;
	[tilespmem:$0x8A40] =	vst v1;
	v1 =	vsel vm13, $0x0, v4  }
0xfe: {  	[tilespmem:$0x8A50] =	vst v1;
	v1 =	vsel vm14, $0x0, v3;
	vm15 =	vge.f32 v2, $1.000000000e+08  }
0xff: {  	[tilespmem:$0x8A60] =	vst v1;
	v1 =	vsel vm15, $0x0, v2  }
0x100: {  	[tilespmem:$0x8A70] =	vst v1;
	v1 =	vld [tilespmem:$0x1FF00];
	_ =	sdelay $0x6  }
0x101: {  	s21 =	simm.s32 $0x0  }
0x102: {  	v61 =	vld.idx.msk [tilespmem:v1+s21+$0x0], $0xffff  }
0x103: {  	v1 =	vld [tilespmem:$0x1FF10];
	_ =	sdelay $0x7  }
0x104: {  	v62 =	vld.idx.msk [tilespmem:v1+s21+$0x0], $0xffff  }
0x105: {  	v1 =	vld [tilespmem:$0x1FF20];
	_ =	sdelay $0x6  }
0x106: {  	v5 =	vld [tilespmem:$0x1FFD0]  }
0x107: {  	v58 =	vld.idx.msk [tilespmem:v1+s21+$0x0], $0xffff  }
0x108: {  	v1 =	vld [tilespmem:$0x1FF30];
	_ =	sdelay $0x4  }
0x109: {  	v4 =	vld [tilespmem:$0x1FFA0]  }
0x10a: {  	v6 =	vor.u32 $0x6001, v0;
	v3 =	vld [tilespmem:$0x1FF90]  }
0x10b: {  	v7 =	vor.u32 $0x6801, v0;
	v5 =	vld.idx.msk [tilespmem:v5+s21+$0x0], $0xffff  }
0x10c: {  	v8 =	vor.u32 $0x7001, v0;
	v56 =	vld.idx.msk [tilespmem:v1+s21+$0x0], $0xffff  }
0x10d: {  	v9 =	vor.u32 $0x7800, v0;
	v1 =	vld [tilespmem:$0x1FF40]  }
0x10e: {  	v10 =	vor.u32 $0x7801, v0;
	v49 =	vld.idx.msk [tilespmem:v48+s21+$0x0], $0xffff  }
0x10f: {  	v52 =	vld.idx.msk [tilespmem:v6+s21+$0x0], $0xffff  }
0x110: {  	v53 =	vld.idx.msk [tilespmem:v7+s21+$0x0], $0xffff  }
0x111: {  	v50 =	vld.idx.msk [tilespmem:v8+s21+$0x0], $0xffff  }
0x112: {  	v51 =	vld.idx.msk [tilespmem:v9+s21+$0x0], $0xffff  }
0x113: {  	v54 =	vld.idx.msk [tilespmem:v10+s21+$0x0], $0xffff  }
0x114: {  	s22 =	simm.s32 $0x200;
	v6 =	vmov s21;
	v60 =	vld.idx.msk [tilespmem:v4+s21+$0x0], $0xffff  }
0x115: {  	v7 =	vmov s22;
	v63 =	vld.idx.msk [tilespmem:v1+s21+$0x0], $0xffff  }
0x116: {  	s23 =	simm.s32 $0x400;
	v8 =	vor.u32 $0x7802, v0;
	v1 =	vld [tilespmem:$0x1FF50]  }
0x117: {  	v9 =	vmov s23;
	v4 =	vld [tilespmem:$0x1FFC0]  }
0x118: {  	v10 =	vor.u32 $0x7803, v0;
	v3 =	vld.idx.msk [tilespmem:v3+s21+$0x0], $0xffff  }
0x119: {  	v12 =	vld.idx.msk [tilespmem:v6+s10+$0x0], $0xffff  }
0x11a: {  	s24 =	simm.s32 $0x600;
	v13 =	vld.idx.msk [tilespmem:v7+s10+$0x0], $0xffff  }
0x11b: {  	v6 =	vmov s24;
	v55 =	vld.idx.msk [tilespmem:v8+s21+$0x0], $0xffff  }
0x11c: {  	s25 =	simm.s32 $0x800;
	v11 =	vor.u32 $0x6800, v0;
	v18 =	vld.idx.msk [tilespmem:v9+s10+$0x0], $0xffff  }
0x11d: {  	v9 =	vmov s25;
	v57 =	vld.idx.msk [tilespmem:v10+s21+$0x0], $0xffff  }
0x11e: {  	v8 =	vor.u32 $0x6002, v0;
	v2 =	vld.idx.msk [tilespmem:v1+s21+$0x0], $0xffff  }
0x11f: {  	v1 =	vld [tilespmem:$0x1FF60]  }
0x120: {  	v21 =	vld.idx.msk [tilespmem:v6+s10+$0x0], $0xffff  }
0x121: {  	v6 =	vld.idx.msk [tilespmem:v11+s21+$0x0], $0xffff  }
0x122: {  	v26 =	vld.idx.msk [tilespmem:v9+s10+$0x0], $0xffff  }
0x123: {  	v10 =	vmin.f32 v51, v12;
	v11 =	vmin.f32 v54, v13;
	v8 =	vld.idx.msk [tilespmem:v8+s21+$0x0], $0xffff  }
0x124: {  	v15 =	vor.u32 $0x6802, v0;
	v10 =	vadd.f32 v11, v10;
	v11 =	vld [tilespmem:$0x1FFE0]  }
0x125: {  	v4 =	vld.idx.msk [tilespmem:v4+s21+$0x0], $0xffff;
	v17 =	vmin.f32 v61, v12;
	v24 =	vmin.f32 v62, v13  }
0x126: {  	v16 =	vor.u32 $0x7002, v0;
	v24 =	vadd.f32 v24, v17;
	v17 =	vld [tilespmem:$0x1FFF0]  }
0x127: {  	v59 =	vld.idx.msk [tilespmem:v1+s21+$0x0], $0xffff  }
0x128: {  	v9 =	vmin.f32 v55, v18;
	v1 =	vld [tilespmem:$0x1FF80]  }
0x129: {  	v10 =	vadd.f32 v9, v10;
	v9 =	vld.idx.msk [tilespmem:v15+s21+$0x0], $0xffff  }
0x12a: {  	v7 =	vor.u32 $0x7000, v0;
	v15 =	vld [tilespmem:$0x1FF70];
	v41 =	vmin.f32 v57, v21  }
0x12b: {  	v32 =	vadd.f32 v41, v10;
	v10 =	vld.idx.msk [tilespmem:v16+s21+$0x0], $0xffff  }
0x12c: {  	v14 =	vor.u32 $0x6003, v0;
	v16 =	vld [tilespmem:$0x1FFB0]  }
0x12d: {  	v19 =	vor.u32 $0x6803, v0;
	v20 =	vor.u32 $0x7003, v0;
	v27 =	vmin.f32 v3, v13;
	v11 =	vld.idx.msk [tilespmem:v11+s21+$0x0], $0xffff  }
0x12e: {  	v28 =	vmin.f32 v5, v13;
	v29 =	vmin.f32 v52, v13;
	v42 =	vmin.f32 v49, v12;
	v17 =	vld.idx.msk [tilespmem:v17+s21+$0x0], $0xffff  }
0x12f: {  	v7 =	vld.idx.msk [tilespmem:v7+s21+$0x0], $0xffff;
	v30 =	vmin.f32 v53, v13;
	v29 =	vadd.f32 v29, v42;
	v43 =	vmin.f32 v6, v12  }
0x130: {  	s28 =	simm.s32 $0x201;
	v47 =	vmin.f32 v8, v18;
	v30 =	vadd.f32 v30, v43;
	v31 =	vmin.f32 v4, v12;
	v1 =	vld.idx.msk [tilespmem:v1+s21+$0x0], $0xffff  }
0x131: {  	v41 =	vmov s28;
	v28 =	vadd.f32 v28, v31;
	v40 =	vmin.f32 v9, v18  }
0x132: {  	v31 =	vmin.f32 v60, v18;
	v30 =	vadd.f32 v40, v30;
	v46 =	vmin.f32 v11, v18  }
0x133: {  	v42 =	vmin.f32 v17, v21;
	v22 =	vmin.f32 v63, v12;
	v25 =	vmin.f32 v2, v13  }
0x134: {  	v15 =	vld.idx.msk [tilespmem:v15+s21+$0x0], $0xffff;
	v13 =	vmin.f32 v50, v13;
	v22 =	vadd.f32 v25, v22;
	v25 =	vmin.f32 v58, v18  }
0x135: {  	v16 =	vld.idx.msk [tilespmem:v16+s21+$0x0], $0xffff;
	v44 =	vmin.f32 v59, v18;
	v23 =	vmin.f32 v1, v12;
	v12 =	vmin.f32 v7, v12  }
0x136: {  	s29 =	simm.s32 $0x401;
	v18 =	vmin.f32 v10, v18;
	v22 =	vadd.f32 v44, v22;
	v45 =	vadd.f32 v13, v12;
	v12 =	vld.idx.msk [tilespmem:v14+s21+$0x0], $0xffff  }
0x137: {  	v44 =	vmov s29;
	v23 =	vadd.f32 v27, v23;
	v27 =	vsub.f32 v26, v32;
	v13 =	vld.idx.msk [tilespmem:v19+s21+$0x0], $0xffff  }
0x138: {  	s26 =	simm.s32 $0x1;
	v19 =	vadd.f32 v25, v24;
	v14 =	vld.idx.msk [tilespmem:v20+s21+$0x0], $0xffff;
	v20 =	vmin.f32 v56, v21;
	v24 =	vadd.f32 v46, v28  }
0x139: {  	s31 =	simm.s32 $0x801;
	v25 =	vmin.f32 v15, v21;
	v28 =	vadd.f32 v47, v29;
	v29 =	vmov s26  }
0x13a: {  	v46 =	vmov s31;
	v22 =	vadd.f32 v25, v22;
	v23 =	vadd.f32 v31, v23  }
0x13b: {  	v31 =	vmin.f32 v16, v21;
	v19 =	vadd.f32 v20, v19;
	v24 =	vadd.f32 v42, v24  }
0x13c: {  	v25 =	vimm.f32 $1.000000020e+30;
	v18 =	vadd.f32 v18, v45;
	v23 =	vadd.f32 v31, v23  }
0x13d: {  	v19 =	vsub.f32 v26, v19;
	v24 =	vsub.f32 v26, v24;
	v43 =	vmin.f32 v12, v21  }
0x13e: {  	v20 =	vmin.f32 v13, v21;
	v21 =	vmin.f32 v14, v21;
	v31 =	vld.idx.msk [tilespmem:v29+s10+$0x0], $0xffff;
	v28 =	vadd.f32 v43, v28  }
0x13f: {  	s30 =	simm.s32 $0x601;
	v35 =	vld.idx.msk [tilespmem:v44+s10+$0x0], $0xffff;
	v32 =	vmin.f32 v25, v27;
	v20 =	vadd.f32 v20, v30;
	v18 =	vadd.f32 v21, v18  }
0x140: {  	v29 =	vmov s30;
	v30 =	vld.idx.msk [tilespmem:v41+s10+$0x0], $0xffff;
	v21 =	vsub.f32 v26, v22;
	v45 =	vsub.f32 v26, v23  }
0x141: {  	v22 =	vmin.f32 v25, v19;
	v28 =	vsub.f32 v26, v28;
	v27 =	vsub.f32 v26, v20  }
0x142: {  	v20 =	vmin.f32 v25, v21;
	v23 =	vsub.f32 v26, v18;
	v21 =	vmin.f32 v25, v45  }
0x143: {  	v18 =	vmin.f32 v25, v24;
	v24 =	vmin.f32 v51, v31;
	v19 =	vmin.f32 v25, v28  }
0x144: {  	v33 =	vmin.f32 v61, v31;
	v36 =	vmin.f32 v1, v31;
	v28 =	vmin.f32 v55, v35  }
0x145: {  	v43 =	vmin.f32 v4, v31;
	v26 =	vmin.f32 v54, v30;
	v47 =	vmin.f32 v62, v30  }
0x146: {  	v29 =	vld.idx.msk [tilespmem:v29+s10+$0x0], $0xffff;
	v38 =	vmin.f32 v2, v30;
	v44 =	vmin.f32 v3, v30;
	v39 =	vmin.f32 v5, v30  }
0x147: {  	v24 =	vadd.f32 v26, v24;
	v26 =	vmin.f32 v63, v31;
	v33 =	vadd.f32 v47, v33  }
0x148: {  	v47 =	vmin.f32 v53, v30;
	v36 =	vadd.f32 v44, v36;
	v44 =	vmin.f32 v49, v31  }
0x149: {  	v26 =	vadd.f32 v38, v26;
	v38 =	vadd.f32 v39, v43;
	v43 =	vmin.f32 v8, v35  }
0x14a: {  	v24 =	vadd.f32 v28, v24;
	v28 =	vld.idx.msk [tilespmem:v46+s10+$0x0], $0xffff;
	v46 =	vmin.f32 v52, v30;
	v30 =	vmin.f32 v50, v30  }
0x14b: {  	v45 =	vmin.f32 v57, v29;
	v40 =	vadd.f32 v46, v44;
	v46 =	vmin.f32 v58, v35  }
0x14c: {  	v44 =	vmin.f32 v10, v35;
	v39 =	vmin.f32 v56, v29;
	v37 =	vmin.f32 v15, v29  }
0x14d: {  	v24 =	vadd.f32 v45, v24;
	v45 =	vmin.f32 v6, v31;
	v31 =	vmin.f32 v7, v31  }
0x14e: {  	v34 =	vadd.f32 v46, v33;
	v41 =	vadd.f32 v47, v45;
	v47 =	vmin.f32 v59, v35  }
0x14f: {  	v42 =	vadd.f32 v30, v31;
	v31 =	vmin.f32 v60, v35;
	v30 =	vadd.f32 v47, v26  }
0x150: {  	v26 =	vmin.f32 v9, v35;
	v33 =	vadd.f32 v31, v36;
	v24 =	vsub.f32 v28, v24  }
0x151: {  	v31 =	vadd.f32 v26, v41;
	v36 =	vadd.f32 v44, v42;
	v26 =	vimm.f32 $1.000000020e+30  }
0x152: {  	s13 =	simm.s32 $0x2;
	v24 =	vmin.f32 v32, v24;
	v32 =	vmin.f32 v11, v35;
	v35 =	vadd.f32 v43, v40  }
0x153: {  	s15 =	simm.s32 $0x202;
	s14 =	simm.s32 $0x3;
	v40 =	vmin.f32 v16, v29;
	v32 =	vadd.f32 v32, v38;
	v38 =	vmov s13  }
.LBB2_6:
0x154: {  	p0 =	sne.s32 s14, $0x1FF;
	v41 =	vmov s15;
	v42 =	vmin.f32 v17, v29;
	v43 =	vmin.f32 v12, v29  }
0x155: {  	s15 =	sadd.s32 $0x400, s13;
	v34 =	vadd.f32 v39, v34;
	v39 =	vmin.f32 v13, v29;
	v29 =	vmin.f32 v14, v29  }
0x156: {  	v30 =	vadd.f32 v37, v30;
	v33 =	vadd.f32 v40, v33;
	v44 =	vmov s15  }
0x157: {  	v25 =	vmin.f32 v25, v27;
	s15 =	sadd.s32 $0x600, s13;
	v32 =	vadd.f32 v42, v32;
	v35 =	vadd.f32 v43, v35  }
0x158: {  	v27 =	vadd.f32 v39, v31;
	v29 =	vadd.f32 v29, v36;
	v37 =	vld.idx.msk [tilespmem:v38+s10+$0x0], $0xffff;
	v38 =	vmov s15  }
0x159: {  	v26 =	vmin.f32 v26, v23;
	v34 =	vsub.f32 v28, v34;
	v30 =	vsub.f32 v28, v30;
	v31 =	vld.idx.msk [tilespmem:v41+s10+$0x0], $0xffff  }
0x15a: {  	v33 =	vsub.f32 v28, v33;
	v32 =	vsub.f32 v28, v32;
	s15 =	sadd.s32 $0x800, s13;
	s13 =	smov.u32 s14  }
0x15b: {  	v35 =	vsub.f32 v28, v35;
	v27 =	vsub.f32 v28, v27;
	v39 =	vmov s15;
	v36 =	vld.idx.msk [tilespmem:v44+s10+$0x0], $0xffff  }
0x15c: {  	v23 =	vsub.f32 v28, v29;
	v22 =	vmin.f32 v22, v34;
	v20 =	vmin.f32 v20, v30  }
0x15d: {  	v21 =	vmin.f32 v21, v33;
	v18 =	vmin.f32 v18, v32;
	v19 =	vmin.f32 v19, v35;
	v29 =	vld.idx.msk [tilespmem:v38+s10+$0x0], $0xffff  }
0x15e: {  	v30 =	vmin.f32 v61, v37;
	v32 =	vmin.f32 v63, v37;
	v33 =	vmin.f32 v1, v37  }
0x15f: {  	v35 =	vmin.f32 v51, v37;
	v34 =	vmin.f32 v62, v31;
	v38 =	vmin.f32 v54, v31  }
0x160: {  	v40 =	vmin.f32 v3, v31;
	v35 =	vadd.f32 v38, v35;
	v28 =	vld.idx.msk [tilespmem:v39+s10+$0x0], $0xffff;
	v39 =	vmin.f32 v2, v31  }
0x161: {  	v41 =	vmin.f32 v52, v31;
	v38 =	vmin.f32 v5, v31;
	v42 =	vmin.f32 v55, v36  }
0x162: {  	v43 =	vmin.f32 v53, v31;
	v31 =	vmin.f32 v50, v31;
	v35 =	vadd.f32 v42, v35  }
0x163: {  	v44 =	vmin.f32 v49, v37;
	v42 =	vmin.f32 v4, v37;
	v45 =	vmin.f32 v57, v29  }
0x164: {  	v46 =	vmin.f32 v6, v37;
	v37 =	vmin.f32 v7, v37;
	v35 =	vadd.f32 v45, v35  }
0x165: {  	v30 =	vadd.f32 v34, v30;
	v34 =	vmin.f32 v58, v36;
	v32 =	vadd.f32 v39, v32  }
0x166: {  	v33 =	vadd.f32 v40, v33;
	v39 =	vmin.f32 v59, v36;
	v35 =	vsub.f32 v28, v35  }
0x167: {  	v41 =	vadd.f32 v41, v44;
	v40 =	vmin.f32 v60, v36;
	v38 =	vadd.f32 v38, v42  }
0x168: {  	v42 =	vadd.f32 v43, v46;
	v43 =	vadd.f32 v31, v37;
	v24 =	vmin.f32 v24, v35  }
.Ltmp2:
0x169: {  	v44 =	vmin.f32 v9, v36;
	v31 =	vmin.f32 v11, v36;
	v35 =	vmin.f32 v8, v36;
	(pc) =	sbr.rel @p0 .LBB2_6-.Ltmp2, $4  }
0x16a: {  	v34 =	vadd.f32 v34, v30;
	v30 =	vadd.f32 v39, v32;
	v36 =	vmin.f32 v10, v36  }
0x16b: {  	v33 =	vadd.f32 v40, v33;
	v39 =	vmin.f32 v56, v29;
	v32 =	vadd.f32 v31, v38  }
0x16c: {  	v37 =	vmin.f32 v15, v29;
	v31 =	vadd.f32 v44, v42;
	v35 =	vadd.f32 v35, v41  }
0x16d: {  	s14 =	sadd.s32 $0x1, s14;
	s15 =	sadd.s32 $0x200, s13;
	v40 =	vmin.f32 v16, v29;
	v38 =	vmov s13;
	v36 =	vadd.f32 v36, v43  }
0x16e: {  	_ =	sdelay $0x2  }
0x16f: {  	v41 =	vmov s15;
	v43 =	vmin.f32 v17, v29;
	v44 =	vmin.f32 v12, v29  }
0x170: {  	s14 =	sadd.s32 $0x400, s13;
	v34 =	vadd.f32 v39, v34;
	v38 =	vld.idx.msk [tilespmem:v38+s10+$0x0], $0xffff;
	v45 =	vmin.f32 v13, v29;
	v30 =	vadd.f32 v37, v30  }
0x171: {  	s30 =	sadd.s32 $0x600, s13;
	v33 =	vadd.f32 v40, v33;
	v42 =	vmov s14;
	v32 =	vadd.f32 v43, v32  }
0x172: {  	v39 =	vmov s30;
	v35 =	vadd.f32 v44, v35;
	v31 =	vadd.f32 v45, v31  }
0x173: {  	v34 =	vsub.f32 v28, v34;
	v30 =	vsub.f32 v28, v30  }
0x174: {  	v25 =	vmin.f32 v25, v27;
	v27 =	vsub.f32 v28, v33;
	v32 =	vsub.f32 v28, v32;
	v37 =	vld.idx.msk [tilespmem:v41+s10+$0x0], $0xffff  }
0x175: {  	v41 =	vmin.f32 v14, v29;
	v43 =	vmin.f32 v1, v38;
	v1 =	vadd.f32 v3, v1  }
0x176: {  	v35 =	vsub.f32 v28, v35;
	v29 =	vadd.f32 v41, v36;
	v36 =	vld.idx.msk [tilespmem:v42+s10+$0x0], $0xffff  }
0x177: {  	s31 =	sadd.s32 $0x800, s13;
	v31 =	vsub.f32 v28, v31;
	v44 =	vmin.f32 v51, v38;
	v33 =	vld.idx.msk [tilespmem:v39+s10+$0x0], $0xffff;
	v1 =	vadd.f32 v60, v1  }
0x178: {  	v41 =	vmov s31;
	v42 =	vmin.f32 v63, v38;
	v28 =	vsub.f32 v28, v29  }
0x179: {  	v29 =	vmin.f32 v61, v38;
	v1 =	vadd.f32 v16, v1;
	v45 =	vmin.f32 v54, v37  }
0x17a: {  	v40 =	vmin.f32 v62, v37;
	v62 =	vadd.f32 v62, v61;
	v61 =	vadd.f32 v54, v51  }
0x17b: {  	v39 =	vadd.f32 v45, v44;
	v46 =	vmin.f32 v55, v36;
	v44 =	vmin.f32 v2, v37  }
0x17c: {  	v45 =	vmin.f32 v57, v33;
	v29 =	vadd.f32 v40, v29;
	v40 =	vmin.f32 v52, v37  }
0x17d: {  	v47 =	vmin.f32 v13, v33;
	v2 =	vadd.f32 v2, v63;
	v52 =	vadd.f32 v52, v49  }
0x17e: {  	v41 =	vld.idx.msk [tilespmem:v41+s10+$0x0], $0xffff;
	v42 =	vadd.f32 v44, v42;
	v39 =	vadd.f32 v46, v39;
	v46 =	vmin.f32 v3, v37  }
0x17f: {  	v44 =	vmin.f32 v53, v37;
	v2 =	vadd.f32 v59, v2;
	v43 =	vadd.f32 v46, v43  }
0x180: {  	v46 =	vmin.f32 v4, v38;
	v39 =	vadd.f32 v45, v39;
	v45 =	vmin.f32 v5, v37  }
0x181: {  	v37 =	vmin.f32 v50, v37;
	v45 =	vadd.f32 v45, v46;
	v46 =	vmin.f32 v49, v38  }
0x182: {  	v2 =	vadd.f32 v15, v2;
	v40 =	vadd.f32 v40, v46;
	v46 =	vmin.f32 v6, v38  }
0x183: {  	v38 =	vmin.f32 v7, v38;
	v39 =	vsub.f32 v41, v39;
	v44 =	vadd.f32 v44, v46  }
0x184: {  	v46 =	vmin.f32 v58, v36;
	v37 =	vadd.f32 v37, v38;
	v38 =	vmin.f32 v59, v36  }
0x185: {  	v59 =	vadd.f32 v8, v52;
	v29 =	vadd.f32 v46, v29;
	v46 =	vmin.f32 v60, v36  }
0x186: {  	v38 =	vadd.f32 v38, v42;
	v3 =	vmin.f32 v24, v39;
	v39 =	vadd.f32 v5, v4  }
0x187: {  	v42 =	vmin.f32 v11, v36;
	v60 =	vadd.f32 v50, v7;
	v43 =	vadd.f32 v46, v43  }
0x188: {  	v46 =	vmin.f32 v8, v36;
	v42 =	vadd.f32 v42, v45;
	v45 =	vmin.f32 v9, v36  }
0x189: {  	v36 =	vmin.f32 v10, v36;
	v8 =	vadd.f32 v12, v59;
	v40 =	vadd.f32 v46, v40  }
0x18a: {  	v46 =	vmin.f32 v56, v33;
	v44 =	vadd.f32 v45, v44;
	v45 =	vmin.f32 v15, v33  }
0x18b: {  	v36 =	vadd.f32 v36, v37;
	v37 =	vmin.f32 v16, v33;
	v4 =	vadd.f32 v11, v39  }
0x18c: {  	v7 =	vadd.f32 v10, v60;
	v29 =	vadd.f32 v46, v29;
	v46 =	vmin.f32 v17, v33  }
0x18d: {  	v38 =	vadd.f32 v45, v38;
	v45 =	vmin.f32 v12, v33;
	v37 =	vadd.f32 v37, v43  }
0x18e: {  	v33 =	vmin.f32 v14, v33;
	v42 =	vadd.f32 v46, v42;
	v40 =	vadd.f32 v45, v40  }
0x18f: {  	v23 =	vmin.f32 v26, v23;
	v43 =	vadd.f32 v47, v44;
	v26 =	vadd.f32 v33, v36  }
0x190: {  	v22 =	vmin.f32 v22, v34;
	v4 =	vadd.f32 v17, v4;
	v7 =	vadd.f32 v14, v7  }
0x191: {  	v20 =	vmin.f32 v20, v30;
	v29 =	vsub.f32 v41, v29;
	v44 =	vsub.f32 v41, v38  }
0x192: {  	v21 =	vmin.f32 v21, v27;
	v45 =	vsub.f32 v41, v37;
	v38 =	vadd.f32 v58, v62  }
0x193: {  	v18 =	vmin.f32 v18, v32;
	v46 =	vsub.f32 v41, v42;
	v47 =	vsub.f32 v41, v40  }
0x194: {  	v19 =	vmin.f32 v19, v35;
	v27 =	vsub.f32 v41, v43;
	v26 =	vsub.f32 v41, v26  }
0x195: {  	v41 =	vadd.f32 v56, v38;
	v22 =	vmin.f32 v22, v29;
	v42 =	vmin.f32 v20, v44  }
0x196: {  	v44 =	vmin.f32 v21, v45;
	v56 =	vadd.f32 v53, v6;
	v2 =	vadd.f32 v42, v2  }
0x197: {  	v45 =	vmin.f32 v18, v46;
	v1 =	vadd.f32 v44, v1;
	v43 =	vadd.f32 v22, v41  }
0x198: {  	v47 =	vmin.f32 v19, v47;
	v4 =	vadd.f32 v45, v4;
	v6 =	vadd.f32 v9, v56  }
0x199: {  	v46 =	vmin.f32 v23, v28;
	v9 =	vadd.f32 v55, v61;
	v8 =	vadd.f32 v47, v8  }
0x19a: {  	v58 =	vmin.f32 v46, v26;
	v2 =	vadd.f32 v2, v42;
	v1 =	vadd.f32 v1, v44  }
0x19b: {  	v40 =	vmin.f32 v25, v31;
	v7 =	vadd.f32 v58, v7;
	v15 =	vadd.f32 v43, v22  }
0x19c: {  	v5 =	vmin.f32 v40, v27;
	v4 =	vadd.f32 v4, v45;
	v6 =	vadd.f32 v13, v6  }
0x19d: {  	v9 =	vadd.f32 v57, v9;
	v8 =	vadd.f32 v8, v47;
	vm9 =	vge.f32 v2, $1.000000000e+08  }
0x19e: {  	vm10 =	vge.f32 v1, $1.000000000e+08;
	v2 =	vsel vm9, $0x0, v2;
	v6 =	vadd.f32 v5, v6  }
0x19f: {  	vm0 =	vge.f32 v15, $1.000000000e+08;
	v1 =	vsel vm10, $0x0, v1;
	vm11 =	vge.f32 v4, $1.000000000e+08;
	[tilespmem:$0x8A90] =	vst v2  }
0x1a0: {  	v62 =	vadd.f32 v3, v9;
	v15 =	vsel vm0, $0x0, v15;
	[tilespmem:$0x8AA0] =	vst v1;
	v2 =	vadd.f32 v6, v5  }
0x1a1: {  	v63 =	vadd.f32 v7, v58;
	vm12 =	vge.f32 v8, $1.000000000e+08;
	v1 =	vsel vm11, $0x0, v4;
	[tilespmem:$0x8A80] =	vst v15  }
0x1a2: {  	[tilespmem:$0x8AB0] =	vst v1;
	v1 =	vsel vm12, $0x0, v8;
	v3 =	vadd.f32 v62, v3;
	vm13 =	vge.f32 v2, $1.000000000e+08  }
0x1a3: {  	vm14 =	vge.f32 v63, $1.000000000e+08;
	[tilespmem:$0x8AC0] =	vst v1;
	v1 =	vsel vm13, $0x0, v2  }
0x1a4: {  	s12 =	sadd.s32 $0x1, s12;
	vm15 =	vge.f32 v3, $1.000000000e+08;
	[tilespmem:$0x8AD0] =	vst v1;
	v1 =	vsel vm14, $0x0, v63  }
0x1a5: {  	p0 =	sne.s32 s12, s6;
	[tilespmem:$0x8AE0] =	vst v1;
	v1 =	vsel vm15, $0x0, v3  }
.Ltmp3:
0x1a6: {  	[tilespmem:$0x8AF0] =	vst v1;
	(pc) =	sbr.rel @p0 .LBB2_1-.Ltmp3, $4  }
0x1a7: {  	[hbm4b:s5+s2] =	stream.linear.scatter [tilespmem:s11], [sflag:$0x1], $0x100, $0x38;
	[tilespmem:$0x8B00] =	vst v63  }
0x1a8: {  	_ =	swait.ge [sflag:s7], $0x100  }
0x1a9: {  	[sflag:s7] =	ssyncset.done $0x0  }
0x1aa: {  	[sflag:s7] =	ssyncadd.s32 $0xFFFFFF00  }
0x1ab: {  	_ =	sfence.sel $0x180000  }
0x1ac: {  	[bflag:$0x0] =	sbarrier.arrive $0xFFFF  }
0x1ad: {  	p0 =	sne.s32 s1, $0x0;
	_ =	strace $0x90000047  }
0x1ae: {  	s0 =	sadd.s32 @!p0 $0x100000, s0;
	[bflag:$0x2] =	sbarrier.arrive $0xFFFF  }
0x1af: {  	[sflag:s0] =	ssyncadd.tile.s32 @!p0 $0x1;
	_ =	shalt  }
.Lfunc_end2:
_tile_overlayer_lowered:
.L_overlay_start_2:
0x1b0: {  	(tag) =	ssettag $0x2  }
0x1b1: {  	s0 =	rddreg [dreg:$0x0];
	s2 =	stileid.u32  }
0x1b2: {  	s1 =	rddreg [dreg:$0x1];
	p0 =	sne.s32 s2, $0x0  }
0x1b3: {  	s3 =	rddreg [dreg:$0x2];
	[bflag:$0x3] =	sbarrier.arrive $0xFFFF;
	s2 =	simm.s32 @!p0 $0x1C01  }
0x1b4: {  	[timem:s3], [sflag:s2] =	dma.local @!p0 [hbm:s0], s1  }
0x1b5: {  	s0 =	simm.s32 @!p0 $0x1  }
0x1b6: {  	_ =	swait.ge @!p0 [sflag:s0], s1  }
0x1b7: {  	s1 =	ssub.s32 @!p0 $0x0, s1;
	[sflag:s0] =	ssyncset.done @!p0 $0x0  }
0x1b8: {  	[sflag:s0] =	ssyncadd.s32 @!p0 s1  }
0x1b9: {  	[bflag:$0x3] =	sbarrier.arrive $0xFFFF  }
0x1ba: {  	_ =	shalt  }

</sc_bundles>
